<compile_context>
chip_gen: v7x
topology: tpu7x:2x2x1
jax: 0.10.2.dev20260603
libtpu: 0.0.44.dev20260713+nightly
codegen_flags: <defaults>
</compile_context>

<pallas_src>
import functools

import jax
import jax.numpy as jnp
from jax import lax
from jax.experimental import pallas as pl
from jax.experimental.pallas import tpu as pltpu
from jax.experimental.pallas import tpu_sc as plsc

_BATCH = 16384
_LANES = 16
_CHUNK = 128
_NW = 32
_ROWS_PER_W = _BATCH // (_NW * _CHUNK)
_NROWS = _BATCH // _CHUNK


def _sc_kernel(users_hbm, items_hbm, ubias_hbm, ibias_hbm, out_hbm,
               uidx_v, iidx_v, urow_v, irow_v, sem_u, sem_i):
    wid = lax.axis_index("s") * 2 + lax.axis_index("c")
    base = wid * _ROWS_PER_W

    pltpu.sync_copy(users_hbm.at[pl.ds(base, _ROWS_PER_W)], uidx_v)
    pltpu.sync_copy(items_hbm.at[pl.ds(base, _ROWS_PER_W)], iidx_v)

    copies = []
    for j in range(_ROWS_PER_W):
        copies.append(pltpu.async_copy(ubias_hbm.at[uidx_v.at[j]],
                                       urow_v.at[j], sem_u))
        copies.append(pltpu.async_copy(ibias_hbm.at[iidx_v.at[j]],
                                       irow_v.at[j], sem_i))
    for c in copies:
        c.wait()

    for j in range(_ROWS_PER_W):
        for k in range(_CHUNK // _LANES):
            s = pl.ds(k * _LANES, _LANES)
            urow_v[j, s] = urow_v[j, s] * irow_v[j, s]

    pltpu.sync_copy(urow_v, out_hbm.at[pl.ds(base, _ROWS_PER_W)])


@jax.jit
def _run(users2d, items2d, ubias_flat, ibias_flat):
    mesh = plsc.VectorSubcoreMesh(core_axis_name="c", subcore_axis_name="s")
    f = functools.partial(
        pl.kernel,
        mesh=mesh,
        out_type=jax.ShapeDtypeStruct((_NROWS, _CHUNK), jnp.float32),
        scratch_types=[
            pltpu.VMEM((_ROWS_PER_W, _CHUNK), jnp.int32),
            pltpu.VMEM((_ROWS_PER_W, _CHUNK), jnp.int32),
            pltpu.VMEM((_ROWS_PER_W, _CHUNK), jnp.float32),
            pltpu.VMEM((_ROWS_PER_W, _CHUNK), jnp.float32),
            pltpu.SemaphoreType.DMA,
            pltpu.SemaphoreType.DMA,
        ],
    )(_sc_kernel)
    return f(users2d, items2d, ubias_flat, ibias_flat)


def kernel(users, items, user_bias, item_bias):
    users2d = users.astype(jnp.int32).reshape(_NROWS, _CHUNK)
    items2d = items.astype(jnp.int32).reshape(_NROWS, _CHUNK)
    out = _run(users2d, items2d, user_bias.reshape(-1), item_bias.reshape(-1))
    return out.reshape(-1)

# --- scband reference (transcript-rebuilt; emitter-appended) ---
"""Pipeline reference for scband-two-linear-9929964389070 (READ-ONLY COPY).

The authoritative reference and input builder live on the scoring server;
editing this copy changes nothing except your own understanding.
"""

import jax, jax.numpy as jnp
import numpy as np

N_USER = 1000000
N_ITEM = 1000000
BATCH = 16384

def setup_inputs(seed: int = 0) -> dict:
    key = jax.random.key(seed)
    k1, k2, k3, k4 = jax.random.split(key, 4)
    users = jax.random.randint(k1, (BATCH,), 0, N_USER, dtype=jnp.int64)
    items = jax.random.randint(k2, (BATCH,), 0, N_ITEM, dtype=jnp.int64)
    # kaiming_normal_ fan_out on [N,1] weight: fan_out = N; std = sqrt(2 / fan_out)
    user_bias = jax.random.normal(k3, (N_USER, 1), dtype=jnp.float32) * np.sqrt(2.0 / N_USER)
    item_bias = jax.random.normal(k4, (N_ITEM, 1), dtype=jnp.float32) * np.sqrt(2.0 / N_ITEM)
    return {"users": users, "items": items, "user_bias": user_bias, "item_bias": item_bias}

def reference(users, items, user_bias, item_bias):
    u_bias = jnp.take(user_bias, users, axis=0)  # [B, 1]
    i_bias = jnp.take(item_bias, items, axis=0)  # [B, 1]
    preds = u_bias * i_bias                      # [B, 1]
    return jnp.squeeze(preds)                    # [B]

if __name__ == "__main__":
    import jax
    _d = setup_inputs()
    print(jax.jit(kernel)(*tuple(_d.values())))

</pallas_src>

<mosaic_0001>
#map = affine_map<(d0, d1) -> (0, 0)>
#map1 = affine_map<(d0, d1) -> (0)>
module attributes {stable_mosaic.version = 14 : i64} {
  func.func @_sc_kernel(%arg0: i32, %arg1: i32, %arg2: memref<128x128xi32, #tpu.memory_space<hbm>>, %arg3: memref<128x128xi32, #tpu.memory_space<hbm>>, %arg4: memref<1000000xf32, #tpu.memory_space<hbm>>, %arg5: memref<1000000xf32, #tpu.memory_space<hbm>>, %arg6: memref<128x128xf32, #tpu.memory_space<hbm>>, %arg7: memref<4x128xi32, #tpu.memory_space<vmem>>, %arg8: memref<4x128xi32, #tpu.memory_space<vmem>>, %arg9: memref<4x128xf32, #tpu.memory_space<vmem>>, %arg10: memref<4x128xf32, #tpu.memory_space<vmem>>, %arg11: memref<!tpu.dma_semaphore, #tpu.memory_space<semaphore_mem>>, %arg12: memref<!tpu.dma_semaphore, #tpu.memory_space<semaphore_mem>>) attributes {dimension_semantics = [#tpu.dimension_semantics<core_parallel>, #tpu.dimension_semantics<subcore_parallel>], iteration_bounds = array<i64: 2, 16>, scalar_prefetch = 0 : i64, scratch_operands = 6 : i64, tpu.core_type = #tpu.core_type<sc_vector_subcore>, window_params = [{transform_indices = #map}, {transform_indices = #map}, {transform_indices = #map1}, {transform_indices = #map1}, {transform_indices = #map}]} {
    %mul3A = arith.constant 2 : i32
    %mul3A_0 = arith.muli %arg1, %mul3A : i32
    %add3A = arith.addi %mul3A_0, %arg0 : i32
    %mul3A_1 = arith.constant 4 : i32
    %mul3A_2 = arith.muli %add3A, %mul3A_1 : i32
    "tpu.region"() ({
      %run_scoped3A = tpu.sem_alloc : memref<!tpu.dma_semaphore, #tpu.memory_space<semaphore_mem>>
      %dma_start3A_703 = arith.constant 0 : i32
      %dma_start3A_704 = tpu.memref_slice %arg2[%mul3A_2, %dma_start3A_703] : memref<128x128xi32, #tpu.memory_space<hbm>> -> memref<4x128xi32, #tpu.memory_space<hbm>>
      %dma_start3A_705 = arith.constant 0 : i32
      %dma_start3A_706 = tpu.memref_slice %arg2[%mul3A_2, %dma_start3A_705] : memref<128x128xi32, #tpu.memory_space<hbm>> -> memref<4x128xi32, #tpu.memory_space<hbm>>
      tpu.enqueue_dma source(%dma_start3A_706 : memref<4x128xi32, #tpu.memory_space<hbm>>) target(%arg7 : memref<4x128xi32, #tpu.memory_space<vmem>>) target_semaphore(%run_scoped3A : memref<!tpu.dma_semaphore, #tpu.memory_space<semaphore_mem>>)
      %dma_wait3A_707 = arith.constant 0 : i32
      %dma_wait3A_708 = tpu.memref_slice %arg2[%mul3A_2, %dma_wait3A_707] : memref<128x128xi32, #tpu.memory_space<hbm>> -> memref<4x128xi32, #tpu.memory_space<hbm>>
      %dma_wait3A_709 = arith.constant 0 : i32
      %dma_wait3A_710 = tpu.memref_slice %arg2[%mul3A_2, %dma_wait3A_709] : memref<128x128xi32, #tpu.memory_space<hbm>> -> memref<4x128xi32, #tpu.memory_space<hbm>>
      tpu.wait_dma2 semaphore(%run_scoped3A : memref<!tpu.dma_semaphore, #tpu.memory_space<semaphore_mem>>) src(%dma_wait3A_710 : memref<4x128xi32, #tpu.memory_space<hbm>>) dst(%arg7 : memref<4x128xi32, #tpu.memory_space<vmem>>)
      tpu.yield
    }) : () -> ()
    "tpu.region"() ({
      %run_scoped3A = tpu.sem_alloc : memref<!tpu.dma_semaphore, #tpu.memory_space<semaphore_mem>>
      %dma_start3A_703 = arith.constant 0 : i32
      %dma_start3A_704 = tpu.memref_slice %arg3[%mul3A_2, %dma_start3A_703] : memref<128x128xi32, #tpu.memory_space<hbm>> -> memref<4x128xi32, #tpu.memory_space<hbm>>
      %dma_start3A_705 = arith.constant 0 : i32
      %dma_start3A_706 = tpu.memref_slice %arg3[%mul3A_2, %dma_start3A_705] : memref<128x128xi32, #tpu.memory_space<hbm>> -> memref<4x128xi32, #tpu.memory_space<hbm>>
      tpu.enqueue_dma source(%dma_start3A_706 : memref<4x128xi32, #tpu.memory_space<hbm>>) target(%arg8 : memref<4x128xi32, #tpu.memory_space<vmem>>) target_semaphore(%run_scoped3A : memref<!tpu.dma_semaphore, #tpu.memory_space<semaphore_mem>>)
      %dma_wait3A_707 = arith.constant 0 : i32
      %dma_wait3A_708 = tpu.memref_slice %arg3[%mul3A_2, %dma_wait3A_707] : memref<128x128xi32, #tpu.memory_space<hbm>> -> memref<4x128xi32, #tpu.memory_space<hbm>>
      %dma_wait3A_709 = arith.constant 0 : i32
      %dma_wait3A_710 = tpu.memref_slice %arg3[%mul3A_2, %dma_wait3A_709] : memref<128x128xi32, #tpu.memory_space<hbm>> -> memref<4x128xi32, #tpu.memory_space<hbm>>
      tpu.wait_dma2 semaphore(%run_scoped3A : memref<!tpu.dma_semaphore, #tpu.memory_space<semaphore_mem>>) src(%dma_wait3A_710 : memref<4x128xi32, #tpu.memory_space<hbm>>) dst(%arg8 : memref<4x128xi32, #tpu.memory_space<vmem>>)
      tpu.yield
    }) : () -> ()
    %dma_start3A = arith.constant 0 : i32
    %dma_start3A_3 = arith.constant 0 : i32
    %dma_start3A_4 = arith.constant 0 : i32
    %dma_start3A_5 = tpu.memref_slice %arg9[%dma_start3A_3, %dma_start3A_4] : memref<4x128xf32, #tpu.memory_space<vmem>> -> memref<1x128xf32, #tpu.memory_space<vmem>>
    %dma_start3A_6 = tpu.memref_squeeze %dma_start3A_5 : memref<1x128xf32, #tpu.memory_space<vmem>> -> memref<128xf32, #tpu.memory_space<vmem>>
    %dma_start3A_7 = arith.constant 0 : i32
    %dma_start3A_8 = tpu.memref_slice %arg7[%dma_start3A, %dma_start3A_7] : memref<4x128xi32, #tpu.memory_space<vmem>> -> memref<1x128xi32, #tpu.memory_space<vmem>>
    %dma_start3A_9 = tpu.memref_squeeze %dma_start3A_8 : memref<1x128xi32, #tpu.memory_space<vmem>> -> memref<128xi32, #tpu.memory_space<vmem>>
    %dma_start3A_10 = arith.constant 0 : i32
    %dma_start3A_11 = tpu.memref_slice %arg4[%dma_start3A_10] : memref<1000000xf32, #tpu.memory_space<hbm>> -> memref<1000000xf32, #tpu.memory_space<hbm>>
    tpu.enqueue_indirect_dma source(%dma_start3A_11 : memref<1000000xf32, #tpu.memory_space<hbm>>) target(%dma_start3A_6 : memref<128xf32, #tpu.memory_space<vmem>>) offsets(%dma_start3A_9 : memref<128xi32, #tpu.memory_space<vmem>>) semaphore(%arg11 : memref<!tpu.dma_semaphore, #tpu.memory_space<semaphore_mem>>)
    %dma_start3A_12 = arith.constant 0 : i32
    %dma_start3A_13 = arith.constant 0 : i32
    %dma_start3A_14 = arith.constant 0 : i32
    %dma_start3A_15 = tpu.memref_slice %arg10[%dma_start3A_13, %dma_start3A_14] : memref<4x128xf32, #tpu.memory_space<vmem>> -> memref<1x128xf32, #tpu.memory_space<vmem>>
    %dma_start3A_16 = tpu.memref_squeeze %dma_start3A_15 : memref<1x128xf32, #tpu.memory_space<vmem>> -> memref<128xf32, #tpu.memory_space<vmem>>
    %dma_start3A_17 = arith.constant 0 : i32
    %dma_start3A_18 = tpu.memref_slice %arg8[%dma_start3A_12, %dma_start3A_17] : memref<4x128xi32, #tpu.memory_space<vmem>> -> memref<1x128xi32, #tpu.memory_space<vmem>>
    %dma_start3A_19 = tpu.memref_squeeze %dma_start3A_18 : memref<1x128xi32, #tpu.memory_space<vmem>> -> memref<128xi32, #tpu.memory_space<vmem>>
    %dma_start3A_20 = arith.constant 0 : i32
    %dma_start3A_21 = tpu.memref_slice %arg5[%dma_start3A_20] : memref<1000000xf32, #tpu.memory_space<hbm>> -> memref<1000000xf32, #tpu.memory_space<hbm>>
    tpu.enqueue_indirect_dma source(%dma_start3A_21 : memref<1000000xf32, #tpu.memory_space<hbm>>) target(%dma_start3A_16 : memref<128xf32, #tpu.memory_space<vmem>>) offsets(%dma_start3A_19 : memref<128xi32, #tpu.memory_space<vmem>>) semaphore(%arg12 : memref<!tpu.dma_semaphore, #tpu.memory_space<semaphore_mem>>)
    %dma_start3A_22 = arith.constant 1 : i32
    %dma_start3A_23 = arith.constant 1 : i32
    %dma_start3A_24 = arith.constant 0 : i32
    %dma_start3A_25 = tpu.memref_slice %arg9[%dma_start3A_23, %dma_start3A_24] : memref<4x128xf32, #tpu.memory_space<vmem>> -> memref<1x128xf32, #tpu.memory_space<vmem>>
    %dma_start3A_26 = tpu.memref_squeeze %dma_start3A_25 : memref<1x128xf32, #tpu.memory_space<vmem>> -> memref<128xf32, #tpu.memory_space<vmem>>
    %dma_start3A_27 = arith.constant 0 : i32
    %dma_start3A_28 = tpu.memref_slice %arg7[%dma_start3A_22, %dma_start3A_27] : memref<4x128xi32, #tpu.memory_space<vmem>> -> memref<1x128xi32, #tpu.memory_space<vmem>>
    %dma_start3A_29 = tpu.memref_squeeze %dma_start3A_28 : memref<1x128xi32, #tpu.memory_space<vmem>> -> memref<128xi32, #tpu.memory_space<vmem>>
    %dma_start3A_30 = arith.constant 0 : i32
    %dma_start3A_31 = tpu.memref_slice %arg4[%dma_start3A_30] : memref<1000000xf32, #tpu.memory_space<hbm>> -> memref<1000000xf32, #tpu.memory_space<hbm>>
    tpu.enqueue_indirect_dma source(%dma_start3A_31 : memref<1000000xf32, #tpu.memory_space<hbm>>) target(%dma_start3A_26 : memref<128xf32, #tpu.memory_space<vmem>>) offsets(%dma_start3A_29 : memref<128xi32, #tpu.memory_space<vmem>>) semaphore(%arg11 : memref<!tpu.dma_semaphore, #tpu.memory_space<semaphore_mem>>)
    %dma_start3A_32 = arith.constant 1 : i32
    %dma_start3A_33 = arith.constant 1 : i32
    %dma_start3A_34 = arith.constant 0 : i32
    %dma_start3A_35 = tpu.memref_slice %arg10[%dma_start3A_33, %dma_start3A_34] : memref<4x128xf32, #tpu.memory_space<vmem>> -> memref<1x128xf32, #tpu.memory_space<vmem>>
    %dma_start3A_36 = tpu.memref_squeeze %dma_start3A_35 : memref<1x128xf32, #tpu.memory_space<vmem>> -> memref<128xf32, #tpu.memory_space<vmem>>
    %dma_start3A_37 = arith.constant 0 : i32
    %dma_start3A_38 = tpu.memref_slice %arg8[%dma_start3A_32, %dma_start3A_37] : memref<4x128xi32, #tpu.memory_space<vmem>> -> memref<1x128xi32, #tpu.memory_space<vmem>>
    %dma_start3A_39 = tpu.memref_squeeze %dma_start3A_38 : memref<1x128xi32, #tpu.memory_space<vmem>> -> memref<128xi32, #tpu.memory_space<vmem>>
    %dma_start3A_40 = arith.constant 0 : i32
    %dma_start3A_41 = tpu.memref_slice %arg5[%dma_start3A_40] : memref<1000000xf32, #tpu.memory_space<hbm>> -> memref<1000000xf32, #tpu.memory_space<hbm>>
    tpu.enqueue_indirect_dma source(%dma_start3A_41 : memref<1000000xf32, #tpu.memory_space<hbm>>) target(%dma_start3A_36 : memref<128xf32, #tpu.memory_space<vmem>>) offsets(%dma_start3A_39 : memref<128xi32, #tpu.memory_space<vmem>>) semaphore(%arg12 : memref<!tpu.dma_semaphore, #tpu.memory_space<semaphore_mem>>)
    %dma_start3A_42 = arith.constant 2 : i32
    %dma_start3A_43 = arith.constant 2 : i32
    %dma_start3A_44 = arith.constant 0 : i32
    %dma_start3A_45 = tpu.memref_slice %arg9[%dma_start3A_43, %dma_start3A_44] : memref<4x128xf32, #tpu.memory_space<vmem>> -> memref<1x128xf32, #tpu.memory_space<vmem>>
    %dma_start3A_46 = tpu.memref_squeeze %dma_start3A_45 : memref<1x128xf32, #tpu.memory_space<vmem>> -> memref<128xf32, #tpu.memory_space<vmem>>
    %dma_start3A_47 = arith.constant 0 : i32
    %dma_start3A_48 = tpu.memref_slice %arg7[%dma_start3A_42, %dma_start3A_47] : memref<4x128xi32, #tpu.memory_space<vmem>> -> memref<1x128xi32, #tpu.memory_space<vmem>>
    %dma_start3A_49 = tpu.memref_squeeze %dma_start3A_48 : memref<1x128xi32, #tpu.memory_space<vmem>> -> memref<128xi32, #tpu.memory_space<vmem>>
    %dma_start3A_50 = arith.constant 0 : i32
    %dma_start3A_51 = tpu.memref_slice %arg4[%dma_start3A_50] : memref<1000000xf32, #tpu.memory_space<hbm>> -> memref<1000000xf32, #tpu.memory_space<hbm>>
    tpu.enqueue_indirect_dma source(%dma_start3A_51 : memref<1000000xf32, #tpu.memory_space<hbm>>) target(%dma_start3A_46 : memref<128xf32, #tpu.memory_space<vmem>>) offsets(%dma_start3A_49 : memref<128xi32, #tpu.memory_space<vmem>>) semaphore(%arg11 : memref<!tpu.dma_semaphore, #tpu.memory_space<semaphore_mem>>)
    %dma_start3A_52 = arith.constant 2 : i32
    %dma_start3A_53 = arith.constant 2 : i32
    %dma_start3A_54 = arith.constant 0 : i32
    %dma_start3A_55 = tpu.memref_slice %arg10[%dma_start3A_53, %dma_start3A_54] : memref<4x128xf32, #tpu.memory_space<vmem>> -> memref<1x128xf32, #tpu.memory_space<vmem>>
    %dma_start3A_56 = tpu.memref_squeeze %dma_start3A_55 : memref<1x128xf32, #tpu.memory_space<vmem>> -> memref<128xf32, #tpu.memory_space<vmem>>
    %dma_start3A_57 = arith.constant 0 : i32
    %dma_start3A_58 = tpu.memref_slice %arg8[%dma_start3A_52, %dma_start3A_57] : memref<4x128xi32, #tpu.memory_space<vmem>> -> memref<1x128xi32, #tpu.memory_space<vmem>>
    %dma_start3A_59 = tpu.memref_squeeze %dma_start3A_58 : memref<1x128xi32, #tpu.memory_space<vmem>> -> memref<128xi32, #tpu.memory_space<vmem>>
    %dma_start3A_60 = arith.constant 0 : i32
    %dma_start3A_61 = tpu.memref_slice %arg5[%dma_start3A_60] : memref<1000000xf32, #tpu.memory_space<hbm>> -> memref<1000000xf32, #tpu.memory_space<hbm>>
    tpu.enqueue_indirect_dma source(%dma_start3A_61 : memref<1000000xf32, #tpu.memory_space<hbm>>) target(%dma_start3A_56 : memref<128xf32, #tpu.memory_space<vmem>>) offsets(%dma_start3A_59 : memref<128xi32, #tpu.memory_space<vmem>>) semaphore(%arg12 : memref<!tpu.dma_semaphore, #tpu.memory_space<semaphore_mem>>)
    %dma_start3A_62 = arith.constant 3 : i32
    %dma_start3A_63 = arith.constant 3 : i32
    %dma_start3A_64 = arith.constant 0 : i32
    %dma_start3A_65 = tpu.memref_slice %arg9[%dma_start3A_63, %dma_start3A_64] : memref<4x128xf32, #tpu.memory_space<vmem>> -> memref<1x128xf32, #tpu.memory_space<vmem>>
    %dma_start3A_66 = tpu.memref_squeeze %dma_start3A_65 : memref<1x128xf32, #tpu.memory_space<vmem>> -> memref<128xf32, #tpu.memory_space<vmem>>
    %dma_start3A_67 = arith.constant 0 : i32
    %dma_start3A_68 = tpu.memref_slice %arg7[%dma_start3A_62, %dma_start3A_67] : memref<4x128xi32, #tpu.memory_space<vmem>> -> memref<1x128xi32, #tpu.memory_space<vmem>>
    %dma_start3A_69 = tpu.memref_squeeze %dma_start3A_68 : memref<1x128xi32, #tpu.memory_space<vmem>> -> memref<128xi32, #tpu.memory_space<vmem>>
    %dma_start3A_70 = arith.constant 0 : i32
    %dma_start3A_71 = tpu.memref_slice %arg4[%dma_start3A_70] : memref<1000000xf32, #tpu.memory_space<hbm>> -> memref<1000000xf32, #tpu.memory_space<hbm>>
    tpu.enqueue_indirect_dma source(%dma_start3A_71 : memref<1000000xf32, #tpu.memory_space<hbm>>) target(%dma_start3A_66 : memref<128xf32, #tpu.memory_space<vmem>>) offsets(%dma_start3A_69 : memref<128xi32, #tpu.memory_space<vmem>>) semaphore(%arg11 : memref<!tpu.dma_semaphore, #tpu.memory_space<semaphore_mem>>)
    %dma_start3A_72 = arith.constant 3 : i32
    %dma_start3A_73 = arith.constant 3 : i32
    %dma_start3A_74 = arith.constant 0 : i32
    %dma_start3A_75 = tpu.memref_slice %arg10[%dma_start3A_73, %dma_start3A_74] : memref<4x128xf32, #tpu.memory_space<vmem>> -> memref<1x128xf32, #tpu.memory_space<vmem>>
    %dma_start3A_76 = tpu.memref_squeeze %dma_start3A_75 : memref<1x128xf32, #tpu.memory_space<vmem>> -> memref<128xf32, #tpu.memory_space<vmem>>
    %dma_start3A_77 = arith.constant 0 : i32
    %dma_start3A_78 = tpu.memref_slice %arg8[%dma_start3A_72, %dma_start3A_77] : memref<4x128xi32, #tpu.memory_space<vmem>> -> memref<1x128xi32, #tpu.memory_space<vmem>>
    %dma_start3A_79 = tpu.memref_squeeze %dma_start3A_78 : memref<1x128xi32, #tpu.memory_space<vmem>> -> memref<128xi32, #tpu.memory_space<vmem>>
    %dma_start3A_80 = arith.constant 0 : i32
    %dma_start3A_81 = tpu.memref_slice %arg5[%dma_start3A_80] : memref<1000000xf32, #tpu.memory_space<hbm>> -> memref<1000000xf32, #tpu.memory_space<hbm>>
    tpu.enqueue_indirect_dma source(%dma_start3A_81 : memref<1000000xf32, #tpu.memory_space<hbm>>) target(%dma_start3A_76 : memref<128xf32, #tpu.memory_space<vmem>>) offsets(%dma_start3A_79 : memref<128xi32, #tpu.memory_space<vmem>>) semaphore(%arg12 : memref<!tpu.dma_semaphore, #tpu.memory_space<semaphore_mem>>)
    %dma_wait3A = arith.constant 0 : i32
    %dma_wait3A_82 = arith.constant 0 : i32
    %dma_wait3A_83 = arith.constant 0 : i32
    %dma_wait3A_84 = tpu.memref_slice %arg9[%dma_wait3A_82, %dma_wait3A_83] : memref<4x128xf32, #tpu.memory_space<vmem>> -> memref<1x128xf32, #tpu.memory_space<vmem>>
    %dma_wait3A_85 = tpu.memref_squeeze %dma_wait3A_84 : memref<1x128xf32, #tpu.memory_space<vmem>> -> memref<128xf32, #tpu.memory_space<vmem>>
    %dma_wait3A_86 = arith.constant 0 : i32
    %dma_wait3A_87 = tpu.memref_slice %arg7[%dma_wait3A, %dma_wait3A_86] : memref<4x128xi32, #tpu.memory_space<vmem>> -> memref<1x128xi32, #tpu.memory_space<vmem>>
    %dma_wait3A_88 = tpu.memref_squeeze %dma_wait3A_87 : memref<1x128xi32, #tpu.memory_space<vmem>> -> memref<128xi32, #tpu.memory_space<vmem>>
    %dma_wait3A_89 = arith.constant 0 : i32
    %dma_wait3A_90 = tpu.memref_slice %arg4[%dma_wait3A_89] : memref<1000000xf32, #tpu.memory_space<hbm>> -> memref<1000000xf32, #tpu.memory_space<hbm>>
    tpu.wait_indirect_dma semaphore(%arg11 : memref<!tpu.dma_semaphore, #tpu.memory_space<semaphore_mem>>) src(%dma_wait3A_90 : memref<1000000xf32, #tpu.memory_space<hbm>>) dst(%dma_wait3A_85 : memref<128xf32, #tpu.memory_space<vmem>>)
    %dma_wait3A_91 = arith.constant 0 : i32
    %dma_wait3A_92 = arith.constant 0 : i32
    %dma_wait3A_93 = arith.constant 0 : i32
    %dma_wait3A_94 = tpu.memref_slice %arg10[%dma_wait3A_92, %dma_wait3A_93] : memref<4x128xf32, #tpu.memory_space<vmem>> -> memref<1x128xf32, #tpu.memory_space<vmem>>
    %dma_wait3A_95 = tpu.memref_squeeze %dma_wait3A_94 : memref<1x128xf32, #tpu.memory_space<vmem>> -> memref<128xf32, #tpu.memory_space<vmem>>
    %dma_wait3A_96 = arith.constant 0 : i32
    %dma_wait3A_97 = tpu.memref_slice %arg8[%dma_wait3A_91, %dma_wait3A_96] : memref<4x128xi32, #tpu.memory_space<vmem>> -> memref<1x128xi32, #tpu.memory_space<vmem>>
    %dma_wait3A_98 = tpu.memref_squeeze %dma_wait3A_97 : memref<1x128xi32, #tpu.memory_space<vmem>> -> memref<128xi32, #tpu.memory_space<vmem>>
    %dma_wait3A_99 = arith.constant 0 : i32
    %dma_wait3A_100 = tpu.memref_slice %arg5[%dma_wait3A_99] : memref<1000000xf32, #tpu.memory_space<hbm>> -> memref<1000000xf32, #tpu.memory_space<hbm>>
    tpu.wait_indirect_dma semaphore(%arg12 : memref<!tpu.dma_semaphore, #tpu.memory_space<semaphore_mem>>) src(%dma_wait3A_100 : memref<1000000xf32, #tpu.memory_space<hbm>>) dst(%dma_wait3A_95 : memref<128xf32, #tpu.memory_space<vmem>>)
    %dma_wait3A_101 = arith.constant 1 : i32
    %dma_wait3A_102 = arith.constant 1 : i32
    %dma_wait3A_103 = arith.constant 0 : i32
    %dma_wait3A_104 = tpu.memref_slice %arg9[%dma_wait3A_102, %dma_wait3A_103] : memref<4x128xf32, #tpu.memory_space<vmem>> -> memref<1x128xf32, #tpu.memory_space<vmem>>
    %dma_wait3A_105 = tpu.memref_squeeze %dma_wait3A_104 : memref<1x128xf32, #tpu.memory_space<vmem>> -> memref<128xf32, #tpu.memory_space<vmem>>
    %dma_wait3A_106 = arith.constant 0 : i32
    %dma_wait3A_107 = tpu.memref_slice %arg7[%dma_wait3A_101, %dma_wait3A_106] : memref<4x128xi32, #tpu.memory_space<vmem>> -> memref<1x128xi32, #tpu.memory_space<vmem>>
    %dma_wait3A_108 = tpu.memref_squeeze %dma_wait3A_107 : memref<1x128xi32, #tpu.memory_space<vmem>> -> memref<128xi32, #tpu.memory_space<vmem>>
    %dma_wait3A_109 = arith.constant 0 : i32
    %dma_wait3A_110 = tpu.memref_slice %arg4[%dma_wait3A_109] : memref<1000000xf32, #tpu.memory_space<hbm>> -> memref<1000000xf32, #tpu.memory_space<hbm>>
    tpu.wait_indirect_dma semaphore(%arg11 : memref<!tpu.dma_semaphore, #tpu.memory_space<semaphore_mem>>) src(%dma_wait3A_110 : memref<1000000xf32, #tpu.memory_space<hbm>>) dst(%dma_wait3A_105 : memref<128xf32, #tpu.memory_space<vmem>>)
    %dma_wait3A_111 = arith.constant 1 : i32
    %dma_wait3A_112 = arith.constant 1 : i32
    %dma_wait3A_113 = arith.constant 0 : i32
    %dma_wait3A_114 = tpu.memref_slice %arg10[%dma_wait3A_112, %dma_wait3A_113] : memref<4x128xf32, #tpu.memory_space<vmem>> -> memref<1x128xf32, #tpu.memory_space<vmem>>
    %dma_wait3A_115 = tpu.memref_squeeze %dma_wait3A_114 : memref<1x128xf32, #tpu.memory_space<vmem>> -> memref<128xf32, #tpu.memory_space<vmem>>
    %dma_wait3A_116 = arith.constant 0 : i32
    %dma_wait3A_117 = tpu.memref_slice %arg8[%dma_wait3A_111, %dma_wait3A_116] : memref<4x128xi32, #tpu.memory_space<vmem>> -> memref<1x128xi32, #tpu.memory_space<vmem>>
    %dma_wait3A_118 = tpu.memref_squeeze %dma_wait3A_117 : memref<1x128xi32, #tpu.memory_space<vmem>> -> memref<128xi32, #tpu.memory_space<vmem>>
    %dma_wait3A_119 = arith.constant 0 : i32
    %dma_wait3A_120 = tpu.memref_slice %arg5[%dma_wait3A_119] : memref<1000000xf32, #tpu.memory_space<hbm>> -> memref<1000000xf32, #tpu.memory_space<hbm>>
    tpu.wait_indirect_dma semaphore(%arg12 : memref<!tpu.dma_semaphore, #tpu.memory_space<semaphore_mem>>) src(%dma_wait3A_120 : memref<1000000xf32, #tpu.memory_space<hbm>>) dst(%dma_wait3A_115 : memref<128xf32, #tpu.memory_space<vmem>>)
    %dma_wait3A_121 = arith.constant 2 : i32
    %dma_wait3A_122 = arith.constant 2 : i32
    %dma_wait3A_123 = arith.constant 0 : i32
    %dma_wait3A_124 = tpu.memref_slice %arg9[%dma_wait3A_122, %dma_wait3A_123] : memref<4x128xf32, #tpu.memory_space<vmem>> -> memref<1x128xf32, #tpu.memory_space<vmem>>
    %dma_wait3A_125 = tpu.memref_squeeze %dma_wait3A_124 : memref<1x128xf32, #tpu.memory_space<vmem>> -> memref<128xf32, #tpu.memory_space<vmem>>
    %dma_wait3A_126 = arith.constant 0 : i32
    %dma_wait3A_127 = tpu.memref_slice %arg7[%dma_wait3A_121, %dma_wait3A_126] : memref<4x128xi32, #tpu.memory_space<vmem>> -> memref<1x128xi32, #tpu.memory_space<vmem>>
    %dma_wait3A_128 = tpu.memref_squeeze %dma_wait3A_127 : memref<1x128xi32, #tpu.memory_space<vmem>> -> memref<128xi32, #tpu.memory_space<vmem>>
    %dma_wait3A_129 = arith.constant 0 : i32
    %dma_wait3A_130 = tpu.memref_slice %arg4[%dma_wait3A_129] : memref<1000000xf32, #tpu.memory_space<hbm>> -> memref<1000000xf32, #tpu.memory_space<hbm>>
    tpu.wait_indirect_dma semaphore(%arg11 : memref<!tpu.dma_semaphore, #tpu.memory_space<semaphore_mem>>) src(%dma_wait3A_130 : memref<1000000xf32, #tpu.memory_space<hbm>>) dst(%dma_wait3A_125 : memref<128xf32, #tpu.memory_space<vmem>>)
    %dma_wait3A_131 = arith.constant 2 : i32
    %dma_wait3A_132 = arith.constant 2 : i32
    %dma_wait3A_133 = arith.constant 0 : i32
    %dma_wait3A_134 = tpu.memref_slice %arg10[%dma_wait3A_132, %dma_wait3A_133] : memref<4x128xf32, #tpu.memory_space<vmem>> -> memref<1x128xf32, #tpu.memory_space<vmem>>
    %dma_wait3A_135 = tpu.memref_squeeze %dma_wait3A_134 : memref<1x128xf32, #tpu.memory_space<vmem>> -> memref<128xf32, #tpu.memory_space<vmem>>
    %dma_wait3A_136 = arith.constant 0 : i32
    %dma_wait3A_137 = tpu.memref_slice %arg8[%dma_wait3A_131, %dma_wait3A_136] : memref<4x128xi32, #tpu.memory_space<vmem>> -> memref<1x128xi32, #tpu.memory_space<vmem>>
    %dma_wait3A_138 = tpu.memref_squeeze %dma_wait3A_137 : memref<1x128xi32, #tpu.memory_space<vmem>> -> memref<128xi32, #tpu.memory_space<vmem>>
    %dma_wait3A_139 = arith.constant 0 : i32
    %dma_wait3A_140 = tpu.memref_slice %arg5[%dma_wait3A_139] : memref<1000000xf32, #tpu.memory_space<hbm>> -> memref<1000000xf32, #tpu.memory_space<hbm>>
    tpu.wait_indirect_dma semaphore(%arg12 : memref<!tpu.dma_semaphore, #tpu.memory_space<semaphore_mem>>) src(%dma_wait3A_140 : memref<1000000xf32, #tpu.memory_space<hbm>>) dst(%dma_wait3A_135 : memref<128xf32, #tpu.memory_space<vmem>>)
    %dma_wait3A_141 = arith.constant 3 : i32
    %dma_wait3A_142 = arith.constant 3 : i32
    %dma_wait3A_143 = arith.constant 0 : i32
    %dma_wait3A_144 = tpu.memref_slice %arg9[%dma_wait3A_142, %dma_wait3A_143] : memref<4x128xf32, #tpu.memory_space<vmem>> -> memref<1x128xf32, #tpu.memory_space<vmem>>
    %dma_wait3A_145 = tpu.memref_squeeze %dma_wait3A_144 : memref<1x128xf32, #tpu.memory_space<vmem>> -> memref<128xf32, #tpu.memory_space<vmem>>
    %dma_wait3A_146 = arith.constant 0 : i32
    %dma_wait3A_147 = tpu.memref_slice %arg7[%dma_wait3A_141, %dma_wait3A_146] : memref<4x128xi32, #tpu.memory_space<vmem>> -> memref<1x128xi32, #tpu.memory_space<vmem>>
    %dma_wait3A_148 = tpu.memref_squeeze %dma_wait3A_147 : memref<1x128xi32, #tpu.memory_space<vmem>> -> memref<128xi32, #tpu.memory_space<vmem>>
    %dma_wait3A_149 = arith.constant 0 : i32
    %dma_wait3A_150 = tpu.memref_slice %arg4[%dma_wait3A_149] : memref<1000000xf32, #tpu.memory_space<hbm>> -> memref<1000000xf32, #tpu.memory_space<hbm>>
    tpu.wait_indirect_dma semaphore(%arg11 : memref<!tpu.dma_semaphore, #tpu.memory_space<semaphore_mem>>) src(%dma_wait3A_150 : memref<1000000xf32, #tpu.memory_space<hbm>>) dst(%dma_wait3A_145 : memref<128xf32, #tpu.memory_space<vmem>>)
    %dma_wait3A_151 = arith.constant 3 : i32
    %dma_wait3A_152 = arith.constant 3 : i32
    %dma_wait3A_153 = arith.constant 0 : i32
    %dma_wait3A_154 = tpu.memref_slice %arg10[%dma_wait3A_152, %dma_wait3A_153] : memref<4x128xf32, #tpu.memory_space<vmem>> -> memref<1x128xf32, #tpu.memory_space<vmem>>
    %dma_wait3A_155 = tpu.memref_squeeze %dma_wait3A_154 : memref<1x128xf32, #tpu.memory_space<vmem>> -> memref<128xf32, #tpu.memory_space<vmem>>
    %dma_wait3A_156 = arith.constant 0 : i32
    %dma_wait3A_157 = tpu.memref_slice %arg8[%dma_wait3A_151, %dma_wait3A_156] : memref<4x128xi32, #tpu.memory_space<vmem>> -> memref<1x128xi32, #tpu.memory_space<vmem>>
    %dma_wait3A_158 = tpu.memref_squeeze %dma_wait3A_157 : memref<1x128xi32, #tpu.memory_space<vmem>> -> memref<128xi32, #tpu.memory_space<vmem>>
    %dma_wait3A_159 = arith.constant 0 : i32
    %dma_wait3A_160 = tpu.memref_slice %arg5[%dma_wait3A_159] : memref<1000000xf32, #tpu.memory_space<hbm>> -> memref<1000000xf32, #tpu.memory_space<hbm>>
    tpu.wait_indirect_dma semaphore(%arg12 : memref<!tpu.dma_semaphore, #tpu.memory_space<semaphore_mem>>) src(%dma_wait3A_160 : memref<1000000xf32, #tpu.memory_space<hbm>>) dst(%dma_wait3A_155 : memref<128xf32, #tpu.memory_space<vmem>>)
    %get3A = arith.constant 0 : i32
    %get3A_161 = arith.index_cast %get3A : i32 to index
    %get3A_162 = arith.constant 0 : index
    %get3A_163 = tpu.vector_load %arg9[%get3A_161, %get3A_162] {strides = array<i32>} : memref<4x128xf32, #tpu.memory_space<vmem>>, vector<1x16xf32>,
    %get3A_164 = vector.shape_cast %get3A_163 : vector<1x16xf32> to vector<16xf32>
    %get3A_165 = arith.constant 0 : i32
    %get3A_166 = arith.index_cast %get3A_165 : i32 to index
    %get3A_167 = arith.constant 0 : index
    %get3A_168 = tpu.vector_load %arg10[%get3A_166, %get3A_167] {strides = array<i32>} : memref<4x128xf32, #tpu.memory_space<vmem>>, vector<1x16xf32>,
    %get3A_169 = vector.shape_cast %get3A_168 : vector<1x16xf32> to vector<16xf32>
    %mul3A_170 = arith.mulf %get3A_164, %get3A_169 : vector<16xf32>
    %swap3A = arith.constant 0 : i32
    %swap3A_171 = arith.index_cast %swap3A : i32 to index
    %swap3A_172 = arith.constant 0 : index
    %swap3A_173 = tpu.vector_load %arg9[%swap3A_171, %swap3A_172] {strides = array<i32>} : memref<4x128xf32, #tpu.memory_space<vmem>>, vector<1x16xf32>,
    %swap3A_174 = vector.shape_cast %swap3A_173 : vector<1x16xf32> to vector<16xf32>
    %swap3A_175 = vector.shape_cast %mul3A_170 : vector<16xf32> to vector<1x16xf32>
    tpu.vector_store %arg9[%swap3A_171, %swap3A_172], %swap3A_175 {strides = array<i32>} : memref<4x128xf32, #tpu.memory_space<vmem>>, vector<1x16xf32>,
    %get3A_176 = arith.constant 0 : i32
    %get3A_177 = arith.index_cast %get3A_176 : i32 to index
    %get3A_178 = arith.constant 16 : index
    %get3A_179 = tpu.vector_load %arg9[%get3A_177, %get3A_178] {strides = array<i32>} : memref<4x128xf32, #tpu.memory_space<vmem>>, vector<1x16xf32>,
    %get3A_180 = vector.shape_cast %get3A_179 : vector<1x16xf32> to vector<16xf32>
    %get3A_181 = arith.constant 0 : i32
    %get3A_182 = arith.index_cast %get3A_181 : i32 to index
    %get3A_183 = arith.constant 16 : index
    %get3A_184 = tpu.vector_load %arg10[%get3A_182, %get3A_183] {strides = array<i32>} : memref<4x128xf32, #tpu.memory_space<vmem>>, vector<1x16xf32>,
    %get3A_185 = vector.shape_cast %get3A_184 : vector<1x16xf32> to vector<16xf32>
    %mul3A_186 = arith.mulf %get3A_180, %get3A_185 : vector<16xf32>
    %swap3A_187 = arith.constant 0 : i32
    %swap3A_188 = arith.index_cast %swap3A_187 : i32 to index
    %swap3A_189 = arith.constant 16 : index
    %swap3A_190 = tpu.vector_load %arg9[%swap3A_188, %swap3A_189] {strides = array<i32>} : memref<4x128xf32, #tpu.memory_space<vmem>>, vector<1x16xf32>,
    %swap3A_191 = vector.shape_cast %swap3A_190 : vector<1x16xf32> to vector<16xf32>
    %swap3A_192 = vector.shape_cast %mul3A_186 : vector<16xf32> to vector<1x16xf32>
    tpu.vector_store %arg9[%swap3A_188, %swap3A_189], %swap3A_192 {strides = array<i32>} : memref<4x128xf32, #tpu.memory_space<vmem>>, vector<1x16xf32>,
    %get3A_193 = arith.constant 0 : i32
    %get3A_194 = arith.index_cast %get3A_193 : i32 to index
    %get3A_195 = arith.constant 32 : index
    %get3A_196 = tpu.vector_load %arg9[%get3A_194, %get3A_195] {strides = array<i32>} : memref<4x128xf32, #tpu.memory_space<vmem>>, vector<1x16xf32>,
    %get3A_197 = vector.shape_cast %get3A_196 : vector<1x16xf32> to vector<16xf32>
    %get3A_198 = arith.constant 0 : i32
    %get3A_199 = arith.index_cast %get3A_198 : i32 to index
    %get3A_200 = arith.constant 32 : index
    %get3A_201 = tpu.vector_load %arg10[%get3A_199, %get3A_200] {strides = array<i32>} : memref<4x128xf32, #tpu.memory_space<vmem>>, vector<1x16xf32>,
    %get3A_202 = vector.shape_cast %get3A_201 : vector<1x16xf32> to vector<16xf32>
    %mul3A_203 = arith.mulf %get3A_197, %get3A_202 : vector<16xf32>
    %swap3A_204 = arith.constant 0 : i32
    %swap3A_205 = arith.index_cast %swap3A_204 : i32 to index
    %swap3A_206 = arith.constant 32 : index
    %swap3A_207 = tpu.vector_load %arg9[%swap3A_205, %swap3A_206] {strides = array<i32>} : memref<4x128xf32, #tpu.memory_space<vmem>>, vector<1x16xf32>,
    %swap3A_208 = vector.shape_cast %swap3A_207 : vector<1x16xf32> to vector<16xf32>
    %swap3A_209 = vector.shape_cast %mul3A_203 : vector<16xf32> to vector<1x16xf32>
    tpu.vector_store %arg9[%swap3A_205, %swap3A_206], %swap3A_209 {strides = array<i32>} : memref<4x128xf32, #tpu.memory_space<vmem>>, vector<1x16xf32>,
    %get3A_210 = arith.constant 0 : i32
    %get3A_211 = arith.index_cast %get3A_210 : i32 to index
    %get3A_212 = arith.constant 48 : index
    %get3A_213 = tpu.vector_load %arg9[%get3A_211, %get3A_212] {strides = array<i32>} : memref<4x128xf32, #tpu.memory_space<vmem>>, vector<1x16xf32>,
    %get3A_214 = vector.shape_cast %get3A_213 : vector<1x16xf32> to vector<16xf32>
    %get3A_215 = arith.constant 0 : i32
    %get3A_216 = arith.index_cast %get3A_215 : i32 to index
    %get3A_217 = arith.constant 48 : index
    %get3A_218 = tpu.vector_load %arg10[%get3A_216, %get3A_217] {strides = array<i32>} : memref<4x128xf32, #tpu.memory_space<vmem>>, vector<1x16xf32>,
    %get3A_219 = vector.shape_cast %get3A_218 : vector<1x16xf32> to vector<16xf32>
    %mul3A_220 = arith.mulf %get3A_214, %get3A_219 : vector<16xf32>
    %swap3A_221 = arith.constant 0 : i32
    %swap3A_222 = arith.index_cast %swap3A_221 : i32 to index
    %swap3A_223 = arith.constant 48 : index
    %swap3A_224 = tpu.vector_load %arg9[%swap3A_222, %swap3A_223] {strides = array<i32>} : memref<4x128xf32, #tpu.memory_space<vmem>>, vector<1x16xf32>,
    %swap3A_225 = vector.shape_cast %swap3A_224 : vector<1x16xf32> to vector<16xf32>
    %swap3A_226 = vector.shape_cast %mul3A_220 : vector<16xf32> to vector<1x16xf32>
    tpu.vector_store %arg9[%swap3A_222, %swap3A_223], %swap3A_226 {strides = array<i32>} : memref<4x128xf32, #tpu.memory_space<vmem>>, vector<1x16xf32>,
    %get3A_227 = arith.constant 0 : i32
    %get3A_228 = arith.index_cast %get3A_227 : i32 to index
    %get3A_229 = arith.constant 64 : index
    %get3A_230 = tpu.vector_load %arg9[%get3A_228, %get3A_229] {strides = array<i32>} : memref<4x128xf32, #tpu.memory_space<vmem>>, vector<1x16xf32>,
    %get3A_231 = vector.shape_cast %get3A_230 : vector<1x16xf32> to vector<16xf32>
    %get3A_232 = arith.constant 0 : i32
    %get3A_233 = arith.index_cast %get3A_232 : i32 to index
    %get3A_234 = arith.constant 64 : index
    %get3A_235 = tpu.vector_load %arg10[%get3A_233, %get3A_234] {strides = array<i32>} : memref<4x128xf32, #tpu.memory_space<vmem>>, vector<1x16xf32>,
    %get3A_236 = vector.shape_cast %get3A_235 : vector<1x16xf32> to vector<16xf32>
    %mul3A_237 = arith.mulf %get3A_231, %get3A_236 : vector<16xf32>
    %swap3A_238 = arith.constant 0 : i32
    %swap3A_239 = arith.index_cast %swap3A_238 : i32 to index
    %swap3A_240 = arith.constant 64 : index
    %swap3A_241 = tpu.vector_load %arg9[%swap3A_239, %swap3A_240] {strides = array<i32>} : memref<4x128xf32, #tpu.memory_space<vmem>>, vector<1x16xf32>,
    %swap3A_242 = vector.shape_cast %swap3A_241 : vector<1x16xf32> to vector<16xf32>
    %swap3A_243 = vector.shape_cast %mul3A_237 : vector<16xf32> to vector<1x16xf32>
    tpu.vector_store %arg9[%swap3A_239, %swap3A_240], %swap3A_243 {strides = array<i32>} : memref<4x128xf32, #tpu.memory_space<vmem>>, vector<1x16xf32>,
    %get3A_244 = arith.constant 0 : i32
    %get3A_245 = arith.index_cast %get3A_244 : i32 to index
    %get3A_246 = arith.constant 80 : index
    %get3A_247 = tpu.vector_load %arg9[%get3A_245, %get3A_246] {strides = array<i32>} : memref<4x128xf32, #tpu.memory_space<vmem>>, vector<1x16xf32>,
    %get3A_248 = vector.shape_cast %get3A_247 : vector<1x16xf32> to vector<16xf32>
    %get3A_249 = arith.constant 0 : i32
    %get3A_250 = arith.index_cast %get3A_249 : i32 to index
    %get3A_251 = arith.constant 80 : index
    %get3A_252 = tpu.vector_load %arg10[%get3A_250, %get3A_251] {strides = array<i32>} : memref<4x128xf32, #tpu.memory_space<vmem>>, vector<1x16xf32>,
    %get3A_253 = vector.shape_cast %get3A_252 : vector<1x16xf32> to vector<16xf32>
    %mul3A_254 = arith.mulf %get3A_248, %get3A_253 : vector<16xf32>
    %swap3A_255 = arith.constant 0 : i32
    %swap3A_256 = arith.index_cast %swap3A_255 : i32 to index
    %swap3A_257 = arith.constant 80 : index
    %swap3A_258 = tpu.vector_load %arg9[%swap3A_256, %swap3A_257] {strides = array<i32>} : memref<4x128xf32, #tpu.memory_space<vmem>>, vector<1x16xf32>,
    %swap3A_259 = vector.shape_cast %swap3A_258 : vector<1x16xf32> to vector<16xf32>
    %swap3A_260 = vector.shape_cast %mul3A_254 : vector<16xf32> to vector<1x16xf32>
    tpu.vector_store %arg9[%swap3A_256, %swap3A_257], %swap3A_260 {strides = array<i32>} : memref<4x128xf32, #tpu.memory_space<vmem>>, vector<1x16xf32>,
    %get3A_261 = arith.constant 0 : i32
    %get3A_262 = arith.index_cast %get3A_261 : i32 to index
    %get3A_263 = arith.constant 96 : index
    %get3A_264 = tpu.vector_load %arg9[%get3A_262, %get3A_263] {strides = array<i32>} : memref<4x128xf32, #tpu.memory_space<vmem>>, vector<1x16xf32>,
    %get3A_265 = vector.shape_cast %get3A_264 : vector<1x16xf32> to vector<16xf32>
    %get3A_266 = arith.constant 0 : i32
    %get3A_267 = arith.index_cast %get3A_266 : i32 to index
    %get3A_268 = arith.constant 96 : index
    %get3A_269 = tpu.vector_load %arg10[%get3A_267, %get3A_268] {strides = array<i32>} : memref<4x128xf32, #tpu.memory_space<vmem>>, vector<1x16xf32>,
    %get3A_270 = vector.shape_cast %get3A_269 : vector<1x16xf32> to vector<16xf32>
    %mul3A_271 = arith.mulf %get3A_265, %get3A_270 : vector<16xf32>
    %swap3A_272 = arith.constant 0 : i32
    %swap3A_273 = arith.index_cast %swap3A_272 : i32 to index
    %swap3A_274 = arith.constant 96 : index
    %swap3A_275 = tpu.vector_load %arg9[%swap3A_273, %swap3A_274] {strides = array<i32>} : memref<4x128xf32, #tpu.memory_space<vmem>>, vector<1x16xf32>,
    %swap3A_276 = vector.shape_cast %swap3A_275 : vector<1x16xf32> to vector<16xf32>
    %swap3A_277 = vector.shape_cast %mul3A_271 : vector<16xf32> to vector<1x16xf32>
    tpu.vector_store %arg9[%swap3A_273, %swap3A_274], %swap3A_277 {strides = array<i32>} : memref<4x128xf32, #tpu.memory_space<vmem>>, vector<1x16xf32>,
    %get3A_278 = arith.constant 0 : i32
    %get3A_279 = arith.index_cast %get3A_278 : i32 to index
    %get3A_280 = arith.constant 112 : index
    %get3A_281 = tpu.vector_load %arg9[%get3A_279, %get3A_280] {strides = array<i32>} : memref<4x128xf32, #tpu.memory_space<vmem>>, vector<1x16xf32>,
    %get3A_282 = vector.shape_cast %get3A_281 : vector<1x16xf32> to vector<16xf32>
    %get3A_283 = arith.constant 0 : i32
    %get3A_284 = arith.index_cast %get3A_283 : i32 to index
    %get3A_285 = arith.constant 112 : index
    %get3A_286 = tpu.vector_load %arg10[%get3A_284, %get3A_285] {strides = array<i32>} : memref<4x128xf32, #tpu.memory_space<vmem>>, vector<1x16xf32>,
    %get3A_287 = vector.shape_cast %get3A_286 : vector<1x16xf32> to vector<16xf32>
    %mul3A_288 = arith.mulf %get3A_282, %get3A_287 : vector<16xf32>
    %swap3A_289 = arith.constant 0 : i32
    %swap3A_290 = arith.index_cast %swap3A_289 : i32 to index
    %swap3A_291 = arith.constant 112 : index
    %swap3A_292 = tpu.vector_load %arg9[%swap3A_290, %swap3A_291] {strides = array<i32>} : memref<4x128xf32, #tpu.memory_space<vmem>>, vector<1x16xf32>,
    %swap3A_293 = vector.shape_cast %swap3A_292 : vector<1x16xf32> to vector<16xf32>
    %swap3A_294 = vector.shape_cast %mul3A_288 : vector<16xf32> to vector<1x16xf32>
    tpu.vector_store %arg9[%swap3A_290, %swap3A_291], %swap3A_294 {strides = array<i32>} : memref<4x128xf32, #tpu.memory_space<vmem>>, vector<1x16xf32>,
    %get3A_295 = arith.constant 1 : i32
    %get3A_296 = arith.index_cast %get3A_295 : i32 to index
    %get3A_297 = arith.constant 0 : index
    %get3A_298 = tpu.vector_load %arg9[%get3A_296, %get3A_297] {strides = array<i32>} : memref<4x128xf32, #tpu.memory_space<vmem>>, vector<1x16xf32>,
    %get3A_299 = vector.shape_cast %get3A_298 : vector<1x16xf32> to vector<16xf32>
    %get3A_300 = arith.constant 1 : i32
    %get3A_301 = arith.index_cast %get3A_300 : i32 to index
    %get3A_302 = arith.constant 0 : index
    %get3A_303 = tpu.vector_load %arg10[%get3A_301, %get3A_302] {strides = array<i32>} : memref<4x128xf32, #tpu.memory_space<vmem>>, vector<1x16xf32>,
    %get3A_304 = vector.shape_cast %get3A_303 : vector<1x16xf32> to vector<16xf32>
    %mul3A_305 = arith.mulf %get3A_299, %get3A_304 : vector<16xf32>
    %swap3A_306 = arith.constant 1 : i32
    %swap3A_307 = arith.index_cast %swap3A_306 : i32 to index
    %swap3A_308 = arith.constant 0 : index
    %swap3A_309 = tpu.vector_load %arg9[%swap3A_307, %swap3A_308] {strides = array<i32>} : memref<4x128xf32, #tpu.memory_space<vmem>>, vector<1x16xf32>,
    %swap3A_310 = vector.shape_cast %swap3A_309 : vector<1x16xf32> to vector<16xf32>
    %swap3A_311 = vector.shape_cast %mul3A_305 : vector<16xf32> to vector<1x16xf32>
    tpu.vector_store %arg9[%swap3A_307, %swap3A_308], %swap3A_311 {strides = array<i32>} : memref<4x128xf32, #tpu.memory_space<vmem>>, vector<1x16xf32>,
    %get3A_312 = arith.constant 1 : i32
    %get3A_313 = arith.index_cast %get3A_312 : i32 to index
    %get3A_314 = arith.constant 16 : index
    %get3A_315 = tpu.vector_load %arg9[%get3A_313, %get3A_314] {strides = array<i32>} : memref<4x128xf32, #tpu.memory_space<vmem>>, vector<1x16xf32>,
    %get3A_316 = vector.shape_cast %get3A_315 : vector<1x16xf32> to vector<16xf32>
    %get3A_317 = arith.constant 1 : i32
    %get3A_318 = arith.index_cast %get3A_317 : i32 to index
    %get3A_319 = arith.constant 16 : index
    %get3A_320 = tpu.vector_load %arg10[%get3A_318, %get3A_319] {strides = array<i32>} : memref<4x128xf32, #tpu.memory_space<vmem>>, vector<1x16xf32>,
    %get3A_321 = vector.shape_cast %get3A_320 : vector<1x16xf32> to vector<16xf32>
    %mul3A_322 = arith.mulf %get3A_316, %get3A_321 : vector<16xf32>
    %swap3A_323 = arith.constant 1 : i32
    %swap3A_324 = arith.index_cast %swap3A_323 : i32 to index
    %swap3A_325 = arith.constant 16 : index
    %swap3A_326 = tpu.vector_load %arg9[%swap3A_324, %swap3A_325] {strides = array<i32>} : memref<4x128xf32, #tpu.memory_space<vmem>>, vector<1x16xf32>,
    %swap3A_327 = vector.shape_cast %swap3A_326 : vector<1x16xf32> to vector<16xf32>
    %swap3A_328 = vector.shape_cast %mul3A_322 : vector<16xf32> to vector<1x16xf32>
    tpu.vector_store %arg9[%swap3A_324, %swap3A_325], %swap3A_328 {strides = array<i32>} : memref<4x128xf32, #tpu.memory_space<vmem>>, vector<1x16xf32>,
    %get3A_329 = arith.constant 1 : i32
    %get3A_330 = arith.index_cast %get3A_329 : i32 to index
    %get3A_331 = arith.constant 32 : index
    %get3A_332 = tpu.vector_load %arg9[%get3A_330, %get3A_331] {strides = array<i32>} : memref<4x128xf32, #tpu.memory_space<vmem>>, vector<1x16xf32>,
    %get3A_333 = vector.shape_cast %get3A_332 : vector<1x16xf32> to vector<16xf32>
    %get3A_334 = arith.constant 1 : i32
    %get3A_335 = arith.index_cast %get3A_334 : i32 to index
    %get3A_336 = arith.constant 32 : index
    %get3A_337 = tpu.vector_load %arg10[%get3A_335, %get3A_336] {strides = array<i32>} : memref<4x128xf32, #tpu.memory_space<vmem>>, vector<1x16xf32>,
    %get3A_338 = vector.shape_cast %get3A_337 : vector<1x16xf32> to vector<16xf32>
    %mul3A_339 = arith.mulf %get3A_333, %get3A_338 : vector<16xf32>
    %swap3A_340 = arith.constant 1 : i32
    %swap3A_341 = arith.index_cast %swap3A_340 : i32 to index
    %swap3A_342 = arith.constant 32 : index
    %swap3A_343 = tpu.vector_load %arg9[%swap3A_341, %swap3A_342] {strides = array<i32>} : memref<4x128xf32, #tpu.memory_space<vmem>>, vector<1x16xf32>,
    %swap3A_344 = vector.shape_cast %swap3A_343 : vector<1x16xf32> to vector<16xf32>
    %swap3A_345 = vector.shape_cast %mul3A_339 : vector<16xf32> to vector<1x16xf32>
    tpu.vector_store %arg9[%swap3A_341, %swap3A_342], %swap3A_345 {strides = array<i32>} : memref<4x128xf32, #tpu.memory_space<vmem>>, vector<1x16xf32>,
    %get3A_346 = arith.constant 1 : i32
    %get3A_347 = arith.index_cast %get3A_346 : i32 to index
    %get3A_348 = arith.constant 48 : index
    %get3A_349 = tpu.vector_load %arg9[%get3A_347, %get3A_348] {strides = array<i32>} : memref<4x128xf32, #tpu.memory_space<vmem>>, vector<1x16xf32>,
    %get3A_350 = vector.shape_cast %get3A_349 : vector<1x16xf32> to vector<16xf32>
    %get3A_351 = arith.constant 1 : i32
    %get3A_352 = arith.index_cast %get3A_351 : i32 to index
    %get3A_353 = arith.constant 48 : index
    %get3A_354 = tpu.vector_load %arg10[%get3A_352, %get3A_353] {strides = array<i32>} : memref<4x128xf32, #tpu.memory_space<vmem>>, vector<1x16xf32>,
    %get3A_355 = vector.shape_cast %get3A_354 : vector<1x16xf32> to vector<16xf32>
    %mul3A_356 = arith.mulf %get3A_350, %get3A_355 : vector<16xf32>
    %swap3A_357 = arith.constant 1 : i32
    %swap3A_358 = arith.index_cast %swap3A_357 : i32 to index
    %swap3A_359 = arith.constant 48 : index
    %swap3A_360 = tpu.vector_load %arg9[%swap3A_358, %swap3A_359] {strides = array<i32>} : memref<4x128xf32, #tpu.memory_space<vmem>>, vector<1x16xf32>,
    %swap3A_361 = vector.shape_cast %swap3A_360 : vector<1x16xf32> to vector<16xf32>
    %swap3A_362 = vector.shape_cast %mul3A_356 : vector<16xf32> to vector<1x16xf32>
    tpu.vector_store %arg9[%swap3A_358, %swap3A_359], %swap3A_362 {strides = array<i32>} : memref<4x128xf32, #tpu.memory_space<vmem>>, vector<1x16xf32>,
    %get3A_363 = arith.constant 1 : i32
    %get3A_364 = arith.index_cast %get3A_363 : i32 to index
    %get3A_365 = arith.constant 64 : index
    %get3A_366 = tpu.vector_load %arg9[%get3A_364, %get3A_365] {strides = array<i32>} : memref<4x128xf32, #tpu.memory_space<vmem>>, vector<1x16xf32>,
    %get3A_367 = vector.shape_cast %get3A_366 : vector<1x16xf32> to vector<16xf32>
    %get3A_368 = arith.constant 1 : i32
    %get3A_369 = arith.index_cast %get3A_368 : i32 to index
    %get3A_370 = arith.constant 64 : index
    %get3A_371 = tpu.vector_load %arg10[%get3A_369, %get3A_370] {strides = array<i32>} : memref<4x128xf32, #tpu.memory_space<vmem>>, vector<1x16xf32>,
    %get3A_372 = vector.shape_cast %get3A_371 : vector<1x16xf32> to vector<16xf32>
    %mul3A_373 = arith.mulf %get3A_367, %get3A_372 : vector<16xf32>
    %swap3A_374 = arith.constant 1 : i32
    %swap3A_375 = arith.index_cast %swap3A_374 : i32 to index
    %swap3A_376 = arith.constant 64 : index
    %swap3A_377 = tpu.vector_load %arg9[%swap3A_375, %swap3A_376] {strides = array<i32>} : memref<4x128xf32, #tpu.memory_space<vmem>>, vector<1x16xf32>,
    %swap3A_378 = vector.shape_cast %swap3A_377 : vector<1x16xf32> to vector<16xf32>
    %swap3A_379 = vector.shape_cast %mul3A_373 : vector<16xf32> to vector<1x16xf32>
    tpu.vector_store %arg9[%swap3A_375, %swap3A_376], %swap3A_379 {strides = array<i32>} : memref<4x128xf32, #tpu.memory_space<vmem>>, vector<1x16xf32>,
    %get3A_380 = arith.constant 1 : i32
    %get3A_381 = arith.index_cast %get3A_380 : i32 to index
    %get3A_382 = arith.constant 80 : index
    %get3A_383 = tpu.vector_load %arg9[%get3A_381, %get3A_382] {strides = array<i32>} : memref<4x128xf32, #tpu.memory_space<vmem>>, vector<1x16xf32>,
    %get3A_384 = vector.shape_cast %get3A_383 : vector<1x16xf32> to vector<16xf32>
    %get3A_385 = arith.constant 1 : i32
    %get3A_386 = arith.index_cast %get3A_385 : i32 to index
    %get3A_387 = arith.constant 80 : index
    %get3A_388 = tpu.vector_load %arg10[%get3A_386, %get3A_387] {strides = array<i32>} : memref<4x128xf32, #tpu.memory_space<vmem>>, vector<1x16xf32>,
    %get3A_389 = vector.shape_cast %get3A_388 : vector<1x16xf32> to vector<16xf32>
    %mul3A_390 = arith.mulf %get3A_384, %get3A_389 : vector<16xf32>
    %swap3A_391 = arith.constant 1 : i32
    %swap3A_392 = arith.index_cast %swap3A_391 : i32 to index
    %swap3A_393 = arith.constant 80 : index
    %swap3A_394 = tpu.vector_load %arg9[%swap3A_392, %swap3A_393] {strides = array<i32>} : memref<4x128xf32, #tpu.memory_space<vmem>>, vector<1x16xf32>,
    %swap3A_395 = vector.shape_cast %swap3A_394 : vector<1x16xf32> to vector<16xf32>
    %swap3A_396 = vector.shape_cast %mul3A_390 : vector<16xf32> to vector<1x16xf32>
    tpu.vector_store %arg9[%swap3A_392, %swap3A_393], %swap3A_396 {strides = array<i32>} : memref<4x128xf32, #tpu.memory_space<vmem>>, vector<1x16xf32>,
    %get3A_397 = arith.constant 1 : i32
    %get3A_398 = arith.index_cast %get3A_397 : i32 to index
    %get3A_399 = arith.constant 96 : index
    %get3A_400 = tpu.vector_load %arg9[%get3A_398, %get3A_399] {strides = array<i32>} : memref<4x128xf32, #tpu.memory_space<vmem>>, vector<1x16xf32>,
    %get3A_401 = vector.shape_cast %get3A_400 : vector<1x16xf32> to vector<16xf32>
    %get3A_402 = arith.constant 1 : i32
    %get3A_403 = arith.index_cast %get3A_402 : i32 to index
    %get3A_404 = arith.constant 96 : index
    %get3A_405 = tpu.vector_load %arg10[%get3A_403, %get3A_404] {strides = array<i32>} : memref<4x128xf32, #tpu.memory_space<vmem>>, vector<1x16xf32>,
    %get3A_406 = vector.shape_cast %get3A_405 : vector<1x16xf32> to vector<16xf32>
    %mul3A_407 = arith.mulf %get3A_401, %get3A_406 : vector<16xf32>
    %swap3A_408 = arith.constant 1 : i32
    %swap3A_409 = arith.index_cast %swap3A_408 : i32 to index
    %swap3A_410 = arith.constant 96 : index
    %swap3A_411 = tpu.vector_load %arg9[%swap3A_409, %swap3A_410] {strides = array<i32>} : memref<4x128xf32, #tpu.memory_space<vmem>>, vector<1x16xf32>,
    %swap3A_412 = vector.shape_cast %swap3A_411 : vector<1x16xf32> to vector<16xf32>
    %swap3A_413 = vector.shape_cast %mul3A_407 : vector<16xf32> to vector<1x16xf32>
    tpu.vector_store %arg9[%swap3A_409, %swap3A_410], %swap3A_413 {strides = array<i32>} : memref<4x128xf32, #tpu.memory_space<vmem>>, vector<1x16xf32>,
    %get3A_414 = arith.constant 1 : i32
    %get3A_415 = arith.index_cast %get3A_414 : i32 to index
    %get3A_416 = arith.constant 112 : index
    %get3A_417 = tpu.vector_load %arg9[%get3A_415, %get3A_416] {strides = array<i32>} : memref<4x128xf32, #tpu.memory_space<vmem>>, vector<1x16xf32>,
    %get3A_418 = vector.shape_cast %get3A_417 : vector<1x16xf32> to vector<16xf32>
    %get3A_419 = arith.constant 1 : i32
    %get3A_420 = arith.index_cast %get3A_419 : i32 to index
    %get3A_421 = arith.constant 112 : index
    %get3A_422 = tpu.vector_load %arg10[%get3A_420, %get3A_421] {strides = array<i32>} : memref<4x128xf32, #tpu.memory_space<vmem>>, vector<1x16xf32>,
    %get3A_423 = vector.shape_cast %get3A_422 : vector<1x16xf32> to vector<16xf32>
    %mul3A_424 = arith.mulf %get3A_418, %get3A_423 : vector<16xf32>
    %swap3A_425 = arith.constant 1 : i32
    %swap3A_426 = arith.index_cast %swap3A_425 : i32 to index
    %swap3A_427 = arith.constant 112 : index
    %swap3A_428 = tpu.vector_load %arg9[%swap3A_426, %swap3A_427] {strides = array<i32>} : memref<4x128xf32, #tpu.memory_space<vmem>>, vector<1x16xf32>,
    %swap3A_429 = vector.shape_cast %swap3A_428 : vector<1x16xf32> to vector<16xf32>
    %swap3A_430 = vector.shape_cast %mul3A_424 : vector<16xf32> to vector<1x16xf32>
    tpu.vector_store %arg9[%swap3A_426, %swap3A_427], %swap3A_430 {strides = array<i32>} : memref<4x128xf32, #tpu.memory_space<vmem>>, vector<1x16xf32>,
    %get3A_431 = arith.constant 2 : i32
    %get3A_432 = arith.index_cast %get3A_431 : i32 to index
    %get3A_433 = arith.constant 0 : index
    %get3A_434 = tpu.vector_load %arg9[%get3A_432, %get3A_433] {strides = array<i32>} : memref<4x128xf32, #tpu.memory_space<vmem>>, vector<1x16xf32>,
    %get3A_435 = vector.shape_cast %get3A_434 : vector<1x16xf32> to vector<16xf32>
    %get3A_436 = arith.constant 2 : i32
    %get3A_437 = arith.index_cast %get3A_436 : i32 to index
    %get3A_438 = arith.constant 0 : index
    %get3A_439 = tpu.vector_load %arg10[%get3A_437, %get3A_438] {strides = array<i32>} : memref<4x128xf32, #tpu.memory_space<vmem>>, vector<1x16xf32>,
    %get3A_440 = vector.shape_cast %get3A_439 : vector<1x16xf32> to vector<16xf32>
    %mul3A_441 = arith.mulf %get3A_435, %get3A_440 : vector<16xf32>
    %swap3A_442 = arith.constant 2 : i32
    %swap3A_443 = arith.index_cast %swap3A_442 : i32 to index
    %swap3A_444 = arith.constant 0 : index
    %swap3A_445 = tpu.vector_load %arg9[%swap3A_443, %swap3A_444] {strides = array<i32>} : memref<4x128xf32, #tpu.memory_space<vmem>>, vector<1x16xf32>,
    %swap3A_446 = vector.shape_cast %swap3A_445 : vector<1x16xf32> to vector<16xf32>
    %swap3A_447 = vector.shape_cast %mul3A_441 : vector<16xf32> to vector<1x16xf32>
    tpu.vector_store %arg9[%swap3A_443, %swap3A_444], %swap3A_447 {strides = array<i32>} : memref<4x128xf32, #tpu.memory_space<vmem>>, vector<1x16xf32>,
    %get3A_448 = arith.constant 2 : i32
    %get3A_449 = arith.index_cast %get3A_448 : i32 to index
    %get3A_450 = arith.constant 16 : index
    %get3A_451 = tpu.vector_load %arg9[%get3A_449, %get3A_450] {strides = array<i32>} : memref<4x128xf32, #tpu.memory_space<vmem>>, vector<1x16xf32>,
    %get3A_452 = vector.shape_cast %get3A_451 : vector<1x16xf32> to vector<16xf32>
    %get3A_453 = arith.constant 2 : i32
    %get3A_454 = arith.index_cast %get3A_453 : i32 to index
    %get3A_455 = arith.constant 16 : index
    %get3A_456 = tpu.vector_load %arg10[%get3A_454, %get3A_455] {strides = array<i32>} : memref<4x128xf32, #tpu.memory_space<vmem>>, vector<1x16xf32>,
    %get3A_457 = vector.shape_cast %get3A_456 : vector<1x16xf32> to vector<16xf32>
    %mul3A_458 = arith.mulf %get3A_452, %get3A_457 : vector<16xf32>
    %swap3A_459 = arith.constant 2 : i32
    %swap3A_460 = arith.index_cast %swap3A_459 : i32 to index
    %swap3A_461 = arith.constant 16 : index
    %swap3A_462 = tpu.vector_load %arg9[%swap3A_460, %swap3A_461] {strides = array<i32>} : memref<4x128xf32, #tpu.memory_space<vmem>>, vector<1x16xf32>,
    %swap3A_463 = vector.shape_cast %swap3A_462 : vector<1x16xf32> to vector<16xf32>
    %swap3A_464 = vector.shape_cast %mul3A_458 : vector<16xf32> to vector<1x16xf32>
    tpu.vector_store %arg9[%swap3A_460, %swap3A_461], %swap3A_464 {strides = array<i32>} : memref<4x128xf32, #tpu.memory_space<vmem>>, vector<1x16xf32>,
    %get3A_465 = arith.constant 2 : i32
    %get3A_466 = arith.index_cast %get3A_465 : i32 to index
    %get3A_467 = arith.constant 32 : index
    %get3A_468 = tpu.vector_load %arg9[%get3A_466, %get3A_467] {strides = array<i32>} : memref<4x128xf32, #tpu.memory_space<vmem>>, vector<1x16xf32>,
    %get3A_469 = vector.shape_cast %get3A_468 : vector<1x16xf32> to vector<16xf32>
    %get3A_470 = arith.constant 2 : i32
    %get3A_471 = arith.index_cast %get3A_470 : i32 to index
    %get3A_472 = arith.constant 32 : index
    %get3A_473 = tpu.vector_load %arg10[%get3A_471, %get3A_472] {strides = array<i32>} : memref<4x128xf32, #tpu.memory_space<vmem>>, vector<1x16xf32>,
    %get3A_474 = vector.shape_cast %get3A_473 : vector<1x16xf32> to vector<16xf32>
    %mul3A_475 = arith.mulf %get3A_469, %get3A_474 : vector<16xf32>
    %swap3A_476 = arith.constant 2 : i32
    %swap3A_477 = arith.index_cast %swap3A_476 : i32 to index
    %swap3A_478 = arith.constant 32 : index
    %swap3A_479 = tpu.vector_load %arg9[%swap3A_477, %swap3A_478] {strides = array<i32>} : memref<4x128xf32, #tpu.memory_space<vmem>>, vector<1x16xf32>,
    %swap3A_480 = vector.shape_cast %swap3A_479 : vector<1x16xf32> to vector<16xf32>
    %swap3A_481 = vector.shape_cast %mul3A_475 : vector<16xf32> to vector<1x16xf32>
    tpu.vector_store %arg9[%swap3A_477, %swap3A_478], %swap3A_481 {strides = array<i32>} : memref<4x128xf32, #tpu.memory_space<vmem>>, vector<1x16xf32>,
    %get3A_482 = arith.constant 2 : i32
    %get3A_483 = arith.index_cast %get3A_482 : i32 to index
    %get3A_484 = arith.constant 48 : index
    %get3A_485 = tpu.vector_load %arg9[%get3A_483, %get3A_484] {strides = array<i32>} : memref<4x128xf32, #tpu.memory_space<vmem>>, vector<1x16xf32>,
    %get3A_486 = vector.shape_cast %get3A_485 : vector<1x16xf32> to vector<16xf32>
    %get3A_487 = arith.constant 2 : i32
    %get3A_488 = arith.index_cast %get3A_487 : i32 to index
    %get3A_489 = arith.constant 48 : index
    %get3A_490 = tpu.vector_load %arg10[%get3A_488, %get3A_489] {strides = array<i32>} : memref<4x128xf32, #tpu.memory_space<vmem>>, vector<1x16xf32>,
    %get3A_491 = vector.shape_cast %get3A_490 : vector<1x16xf32> to vector<16xf32>
    %mul3A_492 = arith.mulf %get3A_486, %get3A_491 : vector<16xf32>
    %swap3A_493 = arith.constant 2 : i32
    %swap3A_494 = arith.index_cast %swap3A_493 : i32 to index
    %swap3A_495 = arith.constant 48 : index
    %swap3A_496 = tpu.vector_load %arg9[%swap3A_494, %swap3A_495] {strides = array<i32>} : memref<4x128xf32, #tpu.memory_space<vmem>>, vector<1x16xf32>,
    %swap3A_497 = vector.shape_cast %swap3A_496 : vector<1x16xf32> to vector<16xf32>
    %swap3A_498 = vector.shape_cast %mul3A_492 : vector<16xf32> to vector<1x16xf32>
    tpu.vector_store %arg9[%swap3A_494, %swap3A_495], %swap3A_498 {strides = array<i32>} : memref<4x128xf32, #tpu.memory_space<vmem>>, vector<1x16xf32>,
    %get3A_499 = arith.constant 2 : i32
    %get3A_500 = arith.index_cast %get3A_499 : i32 to index
    %get3A_501 = arith.constant 64 : index
    %get3A_502 = tpu.vector_load %arg9[%get3A_500, %get3A_501] {strides = array<i32>} : memref<4x128xf32, #tpu.memory_space<vmem>>, vector<1x16xf32>,
    %get3A_503 = vector.shape_cast %get3A_502 : vector<1x16xf32> to vector<16xf32>
    %get3A_504 = arith.constant 2 : i32
    %get3A_505 = arith.index_cast %get3A_504 : i32 to index
    %get3A_506 = arith.constant 64 : index
    %get3A_507 = tpu.vector_load %arg10[%get3A_505, %get3A_506] {strides = array<i32>} : memref<4x128xf32, #tpu.memory_space<vmem>>, vector<1x16xf32>,
    %get3A_508 = vector.shape_cast %get3A_507 : vector<1x16xf32> to vector<16xf32>
    %mul3A_509 = arith.mulf %get3A_503, %get3A_508 : vector<16xf32>
    %swap3A_510 = arith.constant 2 : i32
    %swap3A_511 = arith.index_cast %swap3A_510 : i32 to index
    %swap3A_512 = arith.constant 64 : index
    %swap3A_513 = tpu.vector_load %arg9[%swap3A_511, %swap3A_512] {strides = array<i32>} : memref<4x128xf32, #tpu.memory_space<vmem>>, vector<1x16xf32>,
    %swap3A_514 = vector.shape_cast %swap3A_513 : vector<1x16xf32> to vector<16xf32>
    %swap3A_515 = vector.shape_cast %mul3A_509 : vector<16xf32> to vector<1x16xf32>
    tpu.vector_store %arg9[%swap3A_511, %swap3A_512], %swap3A_515 {strides = array<i32>} : memref<4x128xf32, #tpu.memory_space<vmem>>, vector<1x16xf32>,
    %get3A_516 = arith.constant 2 : i32
    %get3A_517 = arith.index_cast %get3A_516 : i32 to index
    %get3A_518 = arith.constant 80 : index
    %get3A_519 = tpu.vector_load %arg9[%get3A_517, %get3A_518] {strides = array<i32>} : memref<4x128xf32, #tpu.memory_space<vmem>>, vector<1x16xf32>,
    %get3A_520 = vector.shape_cast %get3A_519 : vector<1x16xf32> to vector<16xf32>
    %get3A_521 = arith.constant 2 : i32
    %get3A_522 = arith.index_cast %get3A_521 : i32 to index
    %get3A_523 = arith.constant 80 : index
    %get3A_524 = tpu.vector_load %arg10[%get3A_522, %get3A_523] {strides = array<i32>} : memref<4x128xf32, #tpu.memory_space<vmem>>, vector<1x16xf32>,
    %get3A_525 = vector.shape_cast %get3A_524 : vector<1x16xf32> to vector<16xf32>
    %mul3A_526 = arith.mulf %get3A_520, %get3A_525 : vector<16xf32>
    %swap3A_527 = arith.constant 2 : i32
    %swap3A_528 = arith.index_cast %swap3A_527 : i32 to index
    %swap3A_529 = arith.constant 80 : index
    %swap3A_530 = tpu.vector_load %arg9[%swap3A_528, %swap3A_529] {strides = array<i32>} : memref<4x128xf32, #tpu.memory_space<vmem>>, vector<1x16xf32>,
    %swap3A_531 = vector.shape_cast %swap3A_530 : vector<1x16xf32> to vector<16xf32>
    %swap3A_532 = vector.shape_cast %mul3A_526 : vector<16xf32> to vector<1x16xf32>
    tpu.vector_store %arg9[%swap3A_528, %swap3A_529], %swap3A_532 {strides = array<i32>} : memref<4x128xf32, #tpu.memory_space<vmem>>, vector<1x16xf32>,
    %get3A_533 = arith.constant 2 : i32
    %get3A_534 = arith.index_cast %get3A_533 : i32 to index
    %get3A_535 = arith.constant 96 : index
    %get3A_536 = tpu.vector_load %arg9[%get3A_534, %get3A_535] {strides = array<i32>} : memref<4x128xf32, #tpu.memory_space<vmem>>, vector<1x16xf32>,
    %get3A_537 = vector.shape_cast %get3A_536 : vector<1x16xf32> to vector<16xf32>
    %get3A_538 = arith.constant 2 : i32
    %get3A_539 = arith.index_cast %get3A_538 : i32 to index
    %get3A_540 = arith.constant 96 : index
    %get3A_541 = tpu.vector_load %arg10[%get3A_539, %get3A_540] {strides = array<i32>} : memref<4x128xf32, #tpu.memory_space<vmem>>, vector<1x16xf32>,
    %get3A_542 = vector.shape_cast %get3A_541 : vector<1x16xf32> to vector<16xf32>
    %mul3A_543 = arith.mulf %get3A_537, %get3A_542 : vector<16xf32>
    %swap3A_544 = arith.constant 2 : i32
    %swap3A_545 = arith.index_cast %swap3A_544 : i32 to index
    %swap3A_546 = arith.constant 96 : index
    %swap3A_547 = tpu.vector_load %arg9[%swap3A_545, %swap3A_546] {strides = array<i32>} : memref<4x128xf32, #tpu.memory_space<vmem>>, vector<1x16xf32>,
    %swap3A_548 = vector.shape_cast %swap3A_547 : vector<1x16xf32> to vector<16xf32>
    %swap3A_549 = vector.shape_cast %mul3A_543 : vector<16xf32> to vector<1x16xf32>
    tpu.vector_store %arg9[%swap3A_545, %swap3A_546], %swap3A_549 {strides = array<i32>} : memref<4x128xf32, #tpu.memory_space<vmem>>, vector<1x16xf32>,
    %get3A_550 = arith.constant 2 : i32
    %get3A_551 = arith.index_cast %get3A_550 : i32 to index
    %get3A_552 = arith.constant 112 : index
    %get3A_553 = tpu.vector_load %arg9[%get3A_551, %get3A_552] {strides = array<i32>} : memref<4x128xf32, #tpu.memory_space<vmem>>, vector<1x16xf32>,
    %get3A_554 = vector.shape_cast %get3A_553 : vector<1x16xf32> to vector<16xf32>
    %get3A_555 = arith.constant 2 : i32
    %get3A_556 = arith.index_cast %get3A_555 : i32 to index
    %get3A_557 = arith.constant 112 : index
    %get3A_558 = tpu.vector_load %arg10[%get3A_556, %get3A_557] {strides = array<i32>} : memref<4x128xf32, #tpu.memory_space<vmem>>, vector<1x16xf32>,
    %get3A_559 = vector.shape_cast %get3A_558 : vector<1x16xf32> to vector<16xf32>
    %mul3A_560 = arith.mulf %get3A_554, %get3A_559 : vector<16xf32>
    %swap3A_561 = arith.constant 2 : i32
    %swap3A_562 = arith.index_cast %swap3A_561 : i32 to index
    %swap3A_563 = arith.constant 112 : index
    %swap3A_564 = tpu.vector_load %arg9[%swap3A_562, %swap3A_563] {strides = array<i32>} : memref<4x128xf32, #tpu.memory_space<vmem>>, vector<1x16xf32>,
    %swap3A_565 = vector.shape_cast %swap3A_564 : vector<1x16xf32> to vector<16xf32>
    %swap3A_566 = vector.shape_cast %mul3A_560 : vector<16xf32> to vector<1x16xf32>
    tpu.vector_store %arg9[%swap3A_562, %swap3A_563], %swap3A_566 {strides = array<i32>} : memref<4x128xf32, #tpu.memory_space<vmem>>, vector<1x16xf32>,
    %get3A_567 = arith.constant 3 : i32
    %get3A_568 = arith.index_cast %get3A_567 : i32 to index
    %get3A_569 = arith.constant 0 : index
    %get3A_570 = tpu.vector_load %arg9[%get3A_568, %get3A_569] {strides = array<i32>} : memref<4x128xf32, #tpu.memory_space<vmem>>, vector<1x16xf32>,
    %get3A_571 = vector.shape_cast %get3A_570 : vector<1x16xf32> to vector<16xf32>
    %get3A_572 = arith.constant 3 : i32
    %get3A_573 = arith.index_cast %get3A_572 : i32 to index
    %get3A_574 = arith.constant 0 : index
    %get3A_575 = tpu.vector_load %arg10[%get3A_573, %get3A_574] {strides = array<i32>} : memref<4x128xf32, #tpu.memory_space<vmem>>, vector<1x16xf32>,
    %get3A_576 = vector.shape_cast %get3A_575 : vector<1x16xf32> to vector<16xf32>
    %mul3A_577 = arith.mulf %get3A_571, %get3A_576 : vector<16xf32>
    %swap3A_578 = arith.constant 3 : i32
    %swap3A_579 = arith.index_cast %swap3A_578 : i32 to index
    %swap3A_580 = arith.constant 0 : index
    %swap3A_581 = tpu.vector_load %arg9[%swap3A_579, %swap3A_580] {strides = array<i32>} : memref<4x128xf32, #tpu.memory_space<vmem>>, vector<1x16xf32>,
    %swap3A_582 = vector.shape_cast %swap3A_581 : vector<1x16xf32> to vector<16xf32>
    %swap3A_583 = vector.shape_cast %mul3A_577 : vector<16xf32> to vector<1x16xf32>
    tpu.vector_store %arg9[%swap3A_579, %swap3A_580], %swap3A_583 {strides = array<i32>} : memref<4x128xf32, #tpu.memory_space<vmem>>, vector<1x16xf32>,
    %get3A_584 = arith.constant 3 : i32
    %get3A_585 = arith.index_cast %get3A_584 : i32 to index
    %get3A_586 = arith.constant 16 : index
    %get3A_587 = tpu.vector_load %arg9[%get3A_585, %get3A_586] {strides = array<i32>} : memref<4x128xf32, #tpu.memory_space<vmem>>, vector<1x16xf32>,
    %get3A_588 = vector.shape_cast %get3A_587 : vector<1x16xf32> to vector<16xf32>
    %get3A_589 = arith.constant 3 : i32
    %get3A_590 = arith.index_cast %get3A_589 : i32 to index
    %get3A_591 = arith.constant 16 : index
    %get3A_592 = tpu.vector_load %arg10[%get3A_590, %get3A_591] {strides = array<i32>} : memref<4x128xf32, #tpu.memory_space<vmem>>, vector<1x16xf32>,
    %get3A_593 = vector.shape_cast %get3A_592 : vector<1x16xf32> to vector<16xf32>
    %mul3A_594 = arith.mulf %get3A_588, %get3A_593 : vector<16xf32>
    %swap3A_595 = arith.constant 3 : i32
    %swap3A_596 = arith.index_cast %swap3A_595 : i32 to index
    %swap3A_597 = arith.constant 16 : index
    %swap3A_598 = tpu.vector_load %arg9[%swap3A_596, %swap3A_597] {strides = array<i32>} : memref<4x128xf32, #tpu.memory_space<vmem>>, vector<1x16xf32>,
    %swap3A_599 = vector.shape_cast %swap3A_598 : vector<1x16xf32> to vector<16xf32>
    %swap3A_600 = vector.shape_cast %mul3A_594 : vector<16xf32> to vector<1x16xf32>
    tpu.vector_store %arg9[%swap3A_596, %swap3A_597], %swap3A_600 {strides = array<i32>} : memref<4x128xf32, #tpu.memory_space<vmem>>, vector<1x16xf32>,
    %get3A_601 = arith.constant 3 : i32
    %get3A_602 = arith.index_cast %get3A_601 : i32 to index
    %get3A_603 = arith.constant 32 : index
    %get3A_604 = tpu.vector_load %arg9[%get3A_602, %get3A_603] {strides = array<i32>} : memref<4x128xf32, #tpu.memory_space<vmem>>, vector<1x16xf32>,
    %get3A_605 = vector.shape_cast %get3A_604 : vector<1x16xf32> to vector<16xf32>
    %get3A_606 = arith.constant 3 : i32
    %get3A_607 = arith.index_cast %get3A_606 : i32 to index
    %get3A_608 = arith.constant 32 : index
    %get3A_609 = tpu.vector_load %arg10[%get3A_607, %get3A_608] {strides = array<i32>} : memref<4x128xf32, #tpu.memory_space<vmem>>, vector<1x16xf32>,
    %get3A_610 = vector.shape_cast %get3A_609 : vector<1x16xf32> to vector<16xf32>
    %mul3A_611 = arith.mulf %get3A_605, %get3A_610 : vector<16xf32>
    %swap3A_612 = arith.constant 3 : i32
    %swap3A_613 = arith.index_cast %swap3A_612 : i32 to index
    %swap3A_614 = arith.constant 32 : index
    %swap3A_615 = tpu.vector_load %arg9[%swap3A_613, %swap3A_614] {strides = array<i32>} : memref<4x128xf32, #tpu.memory_space<vmem>>, vector<1x16xf32>,
    %swap3A_616 = vector.shape_cast %swap3A_615 : vector<1x16xf32> to vector<16xf32>
    %swap3A_617 = vector.shape_cast %mul3A_611 : vector<16xf32> to vector<1x16xf32>
    tpu.vector_store %arg9[%swap3A_613, %swap3A_614], %swap3A_617 {strides = array<i32>} : memref<4x128xf32, #tpu.memory_space<vmem>>, vector<1x16xf32>,
    %get3A_618 = arith.constant 3 : i32
    %get3A_619 = arith.index_cast %get3A_618 : i32 to index
    %get3A_620 = arith.constant 48 : index
    %get3A_621 = tpu.vector_load %arg9[%get3A_619, %get3A_620] {strides = array<i32>} : memref<4x128xf32, #tpu.memory_space<vmem>>, vector<1x16xf32>,
    %get3A_622 = vector.shape_cast %get3A_621 : vector<1x16xf32> to vector<16xf32>
    %get3A_623 = arith.constant 3 : i32
    %get3A_624 = arith.index_cast %get3A_623 : i32 to index
    %get3A_625 = arith.constant 48 : index
    %get3A_626 = tpu.vector_load %arg10[%get3A_624, %get3A_625] {strides = array<i32>} : memref<4x128xf32, #tpu.memory_space<vmem>>, vector<1x16xf32>,
    %get3A_627 = vector.shape_cast %get3A_626 : vector<1x16xf32> to vector<16xf32>
    %mul3A_628 = arith.mulf %get3A_622, %get3A_627 : vector<16xf32>
    %swap3A_629 = arith.constant 3 : i32
    %swap3A_630 = arith.index_cast %swap3A_629 : i32 to index
    %swap3A_631 = arith.constant 48 : index
    %swap3A_632 = tpu.vector_load %arg9[%swap3A_630, %swap3A_631] {strides = array<i32>} : memref<4x128xf32, #tpu.memory_space<vmem>>, vector<1x16xf32>,
    %swap3A_633 = vector.shape_cast %swap3A_632 : vector<1x16xf32> to vector<16xf32>
    %swap3A_634 = vector.shape_cast %mul3A_628 : vector<16xf32> to vector<1x16xf32>
    tpu.vector_store %arg9[%swap3A_630, %swap3A_631], %swap3A_634 {strides = array<i32>} : memref<4x128xf32, #tpu.memory_space<vmem>>, vector<1x16xf32>,
    %get3A_635 = arith.constant 3 : i32
    %get3A_636 = arith.index_cast %get3A_635 : i32 to index
    %get3A_637 = arith.constant 64 : index
    %get3A_638 = tpu.vector_load %arg9[%get3A_636, %get3A_637] {strides = array<i32>} : memref<4x128xf32, #tpu.memory_space<vmem>>, vector<1x16xf32>,
    %get3A_639 = vector.shape_cast %get3A_638 : vector<1x16xf32> to vector<16xf32>
    %get3A_640 = arith.constant 3 : i32
    %get3A_641 = arith.index_cast %get3A_640 : i32 to index
    %get3A_642 = arith.constant 64 : index
    %get3A_643 = tpu.vector_load %arg10[%get3A_641, %get3A_642] {strides = array<i32>} : memref<4x128xf32, #tpu.memory_space<vmem>>, vector<1x16xf32>,
    %get3A_644 = vector.shape_cast %get3A_643 : vector<1x16xf32> to vector<16xf32>
    %mul3A_645 = arith.mulf %get3A_639, %get3A_644 : vector<16xf32>
    %swap3A_646 = arith.constant 3 : i32
    %swap3A_647 = arith.index_cast %swap3A_646 : i32 to index
    %swap3A_648 = arith.constant 64 : index
    %swap3A_649 = tpu.vector_load %arg9[%swap3A_647, %swap3A_648] {strides = array<i32>} : memref<4x128xf32, #tpu.memory_space<vmem>>, vector<1x16xf32>,
    %swap3A_650 = vector.shape_cast %swap3A_649 : vector<1x16xf32> to vector<16xf32>
    %swap3A_651 = vector.shape_cast %mul3A_645 : vector<16xf32> to vector<1x16xf32>
    tpu.vector_store %arg9[%swap3A_647, %swap3A_648], %swap3A_651 {strides = array<i32>} : memref<4x128xf32, #tpu.memory_space<vmem>>, vector<1x16xf32>,
    %get3A_652 = arith.constant 3 : i32
    %get3A_653 = arith.index_cast %get3A_652 : i32 to index
    %get3A_654 = arith.constant 80 : index
    %get3A_655 = tpu.vector_load %arg9[%get3A_653, %get3A_654] {strides = array<i32>} : memref<4x128xf32, #tpu.memory_space<vmem>>, vector<1x16xf32>,
    %get3A_656 = vector.shape_cast %get3A_655 : vector<1x16xf32> to vector<16xf32>
    %get3A_657 = arith.constant 3 : i32
    %get3A_658 = arith.index_cast %get3A_657 : i32 to index
    %get3A_659 = arith.constant 80 : index
    %get3A_660 = tpu.vector_load %arg10[%get3A_658, %get3A_659] {strides = array<i32>} : memref<4x128xf32, #tpu.memory_space<vmem>>, vector<1x16xf32>,
    %get3A_661 = vector.shape_cast %get3A_660 : vector<1x16xf32> to vector<16xf32>
    %mul3A_662 = arith.mulf %get3A_656, %get3A_661 : vector<16xf32>
    %swap3A_663 = arith.constant 3 : i32
    %swap3A_664 = arith.index_cast %swap3A_663 : i32 to index
    %swap3A_665 = arith.constant 80 : index
    %swap3A_666 = tpu.vector_load %arg9[%swap3A_664, %swap3A_665] {strides = array<i32>} : memref<4x128xf32, #tpu.memory_space<vmem>>, vector<1x16xf32>,
    %swap3A_667 = vector.shape_cast %swap3A_666 : vector<1x16xf32> to vector<16xf32>
    %swap3A_668 = vector.shape_cast %mul3A_662 : vector<16xf32> to vector<1x16xf32>
    tpu.vector_store %arg9[%swap3A_664, %swap3A_665], %swap3A_668 {strides = array<i32>} : memref<4x128xf32, #tpu.memory_space<vmem>>, vector<1x16xf32>,
    %get3A_669 = arith.constant 3 : i32
    %get3A_670 = arith.index_cast %get3A_669 : i32 to index
    %get3A_671 = arith.constant 96 : index
    %get3A_672 = tpu.vector_load %arg9[%get3A_670, %get3A_671] {strides = array<i32>} : memref<4x128xf32, #tpu.memory_space<vmem>>, vector<1x16xf32>,
    %get3A_673 = vector.shape_cast %get3A_672 : vector<1x16xf32> to vector<16xf32>
    %get3A_674 = arith.constant 3 : i32
    %get3A_675 = arith.index_cast %get3A_674 : i32 to index
    %get3A_676 = arith.constant 96 : index
    %get3A_677 = tpu.vector_load %arg10[%get3A_675, %get3A_676] {strides = array<i32>} : memref<4x128xf32, #tpu.memory_space<vmem>>, vector<1x16xf32>,
    %get3A_678 = vector.shape_cast %get3A_677 : vector<1x16xf32> to vector<16xf32>
    %mul3A_679 = arith.mulf %get3A_673, %get3A_678 : vector<16xf32>
    %swap3A_680 = arith.constant 3 : i32
    %swap3A_681 = arith.index_cast %swap3A_680 : i32 to index
    %swap3A_682 = arith.constant 96 : index
    %swap3A_683 = tpu.vector_load %arg9[%swap3A_681, %swap3A_682] {strides = array<i32>} : memref<4x128xf32, #tpu.memory_space<vmem>>, vector<1x16xf32>,
    %swap3A_684 = vector.shape_cast %swap3A_683 : vector<1x16xf32> to vector<16xf32>
    %swap3A_685 = vector.shape_cast %mul3A_679 : vector<16xf32> to vector<1x16xf32>
    tpu.vector_store %arg9[%swap3A_681, %swap3A_682], %swap3A_685 {strides = array<i32>} : memref<4x128xf32, #tpu.memory_space<vmem>>, vector<1x16xf32>,
    %get3A_686 = arith.constant 3 : i32
    %get3A_687 = arith.index_cast %get3A_686 : i32 to index
    %get3A_688 = arith.constant 112 : index
    %get3A_689 = tpu.vector_load %arg9[%get3A_687, %get3A_688] {strides = array<i32>} : memref<4x128xf32, #tpu.memory_space<vmem>>, vector<1x16xf32>,
    %get3A_690 = vector.shape_cast %get3A_689 : vector<1x16xf32> to vector<16xf32>
    %get3A_691 = arith.constant 3 : i32
    %get3A_692 = arith.index_cast %get3A_691 : i32 to index
    %get3A_693 = arith.constant 112 : index
    %get3A_694 = tpu.vector_load %arg10[%get3A_692, %get3A_693] {strides = array<i32>} : memref<4x128xf32, #tpu.memory_space<vmem>>, vector<1x16xf32>,
    %get3A_695 = vector.shape_cast %get3A_694 : vector<1x16xf32> to vector<16xf32>
    %mul3A_696 = arith.mulf %get3A_690, %get3A_695 : vector<16xf32>
    %swap3A_697 = arith.constant 3 : i32
    %swap3A_698 = arith.index_cast %swap3A_697 : i32 to index
    %swap3A_699 = arith.constant 112 : index
    %swap3A_700 = tpu.vector_load %arg9[%swap3A_698, %swap3A_699] {strides = array<i32>} : memref<4x128xf32, #tpu.memory_space<vmem>>, vector<1x16xf32>,
    %swap3A_701 = vector.shape_cast %swap3A_700 : vector<1x16xf32> to vector<16xf32>
    %swap3A_702 = vector.shape_cast %mul3A_696 : vector<16xf32> to vector<1x16xf32>
    tpu.vector_store %arg9[%swap3A_698, %swap3A_699], %swap3A_702 {strides = array<i32>} : memref<4x128xf32, #tpu.memory_space<vmem>>, vector<1x16xf32>,
    "tpu.region"() ({
      %run_scoped3A = tpu.sem_alloc : memref<!tpu.dma_semaphore, #tpu.memory_space<semaphore_mem>>
      %dma_start3A_703 = arith.constant 0 : i32
      %dma_start3A_704 = tpu.memref_slice %arg6[%mul3A_2, %dma_start3A_703] : memref<128x128xf32, #tpu.memory_space<hbm>> -> memref<4x128xf32, #tpu.memory_space<hbm>>
      %dma_start3A_705 = arith.constant 0 : i32
      %dma_start3A_706 = tpu.memref_slice %arg6[%mul3A_2, %dma_start3A_705] : memref<128x128xf32, #tpu.memory_space<hbm>> -> memref<4x128xf32, #tpu.memory_space<hbm>>
      tpu.enqueue_dma source(%arg9 : memref<4x128xf32, #tpu.memory_space<vmem>>) target(%dma_start3A_706 : memref<4x128xf32, #tpu.memory_space<hbm>>) target_semaphore(%run_scoped3A : memref<!tpu.dma_semaphore, #tpu.memory_space<semaphore_mem>>)
      %dma_wait3A_707 = arith.constant 0 : i32
      %dma_wait3A_708 = tpu.memref_slice %arg6[%mul3A_2, %dma_wait3A_707] : memref<128x128xf32, #tpu.memory_space<hbm>> -> memref<4x128xf32, #tpu.memory_space<hbm>>
      %dma_wait3A_709 = arith.constant 0 : i32
      %dma_wait3A_710 = tpu.memref_slice %arg6[%mul3A_2, %dma_wait3A_709] : memref<128x128xf32, #tpu.memory_space<hbm>> -> memref<4x128xf32, #tpu.memory_space<hbm>>
      tpu.wait_dma2 semaphore(%run_scoped3A : memref<!tpu.dma_semaphore, #tpu.memory_space<semaphore_mem>>) src(%arg9 : memref<4x128xf32, #tpu.memory_space<vmem>>) dst(%dma_wait3A_710 : memref<4x128xf32, #tpu.memory_space<hbm>>)
      tpu.yield
    }) : () -> ()
    return
  }
}

</mosaic_0001>

<sc_bundles>
// kernel: _run.3.cloned.1.call-start
scs
__scs_entry_jumppad:
0x0: {  	(pc) =	sbr.rel $0x88, $3  }
0x1: {  	(tag) =	ssettag $0x0;
	lr =	simm.s32 $0x1  }
0x2: {  	[smem:$0x3F9D] =	sst lr;
	_ =	strace $0xD0000000  }
0x3: {  	_ = 	snop  }
0x4: {  	_ = 	snop  }
0x5: {  	_ = 	snop  }
0x6: {  	_ = 	snop  }
0x7: {  	_ = 	snop  }
__scs_overlays_trampoline_lowered:
0x8: {  	[smem:$0x3FAC] =	sst s0  }
0x9: {  	[smem:$0x3FAD] =	sst s1  }
0xa: {  	[smem:$0x3FAE] =	sst s2  }
0xb: {  	[smem:$0x3FAF] =	sst s3  }
0xc: {  	[smem:$0x3FB0] =	sst s4  }
0xd: {  	[smem:$0x3FB1] =	sst s5  }
0xe: {  	[smem:$0x3FB2] =	sst s6  }
0xf: {  	[smem:$0x3FB3] =	sst s7  }
0x10: {  	[smem:$0x3FB4] =	sst s8  }
0x11: {  	[smem:$0x3FB5] =	sst s9;
	s0 =	simm.s32 @!p0 $0x0  }
0x12: {  	s1 =	sld [smem:$0x3F9B];
	s0 =	simm.s32 @p0 $0x1  }
0x13: {  	[smem:$0x3FB6] =	sst s0;
	s0 =	simm.s32 @!p1 $0x0  }
0x14: {  	s2 =	sld [smem:$0x3F9A];
	s0 =	simm.s32 @p1 $0x1  }
0x15: {  	[smem:$0x3FB7] =	sst s0;
	s0 =	simm.s32 @!p2 $0x0  }
0x16: {  	s3 =	sld [smem:$0x3FDB];
	s0 =	simm.s32 @p2 $0x1  }
0x17: {  	s4 =	simm.s32 $0x1BF5;
	[smem:$0x3FB9] =	sst s0  }
0x18: {  	s0 =	sld [smem:$0x3F9C];
	_ =	swait.ge [sflag:s4], $0x0  }
0x19: {  	s7 =	sld [smem:$0x3F9D]  }
0x1a: {  	s8 =	sadd.s32 $0xFFFFE003, lr  }
0x1b: {  	s9 =	sadd.s32 $0xFFFFFEF7, lr;
	s5 =	simm.s32 $0xFFFFFFFF;
	p2 =	slt.u32 s8, $0xFFFFF086  }
0x1c: {  	p1 =	slt.u32 s9, $0xF7A;
	s5 =	simm.s32 @!p2 $0x0  }
0x1d: {  	s5 =	simm.s32 @p1 $0x1;
	p0 =	seq.s32 s7, s2  }
0x1e: {  	s7 =	smul.u32 @!p0 $0xF7A, s2;
	p2 =	seq.s32 @!p0 s5, $0x0  }
0x1f: {  	s9 =	smul.u32 $0xF7A, s1;
	s8 =	simm.s32 @!p0 $0x1BF5;
	p2 =	por !p2, p0  }
0x20: {  	[sflag:s8] =	ssyncset.s32 @!p0 $0xFFFFF086;
	s6 =	sadd.s32 @!p0 s3, s7;
	s7 =	simm.s32 @!p0 $0x108  }
0x21: {  	s3 =	sadd.s32 s3, s9;
	s6 =	sadd.s32 @!p0 $0x88, s6;
	s7 =	simm.s32 @p2 $0x1082  }
0x22: {  	[simem:s7], [sflag:s8] =	dma.local @!p0 [hbm:s6], $0xF7A  }
0x23: {  	s9 =	sor.u32 $0xD0000000, s2;
	s6 =	simm.s32 $0x108;
	_ =	swait.ge @!p0 [sflag:s8], $0x0  }
0x24: {  	s3 =	sadd.s32 $0x88, s3;
	s6 =	simm.s32 @!p1 $0x1082;
	[sflag:s4] =	ssyncset.s32 $0xFFFFF086  }
0x25: {  	[simem:s6], [sflag:s4] =	dma.local [hbm:s3], $0xF7A  }
0x26: {  	[smem:$0x3F9D] =	sst s1;
	(tag) =	ssettag s2;
	_ =	strace s9  }
0x27: {  	s1 =	sld [smem:$0x3FAD]  }
0x28: {  	s2 =	sld [smem:$0x3FAE]  }
0x29: {  	s4 =	sld [smem:$0x3FB0]  }
0x2a: {  	p0 =	seq.s32 s5, $0x0;
	s5 =	sld [smem:$0x3FB1]  }
0x2b: {  	s6 =	sld [smem:$0x3FB2]  }
0x2c: {  	s7 =	sld [smem:$0x3FB3]  }
0x2d: {  	s3 =	simm.s32 $0x108;
	s8 =	sld [smem:$0x3FB4]  }
0x2e: {  	s3 =	simm.s32 @!p0 $0x1082;
	s9 =	sld [smem:$0x3FB5]  }
0x2f: {  	lr =	sadd.s32 s0, s3;
	s0 =	sld [smem:$0x3FAC]  }
0x30: {  	s3 =	sld [smem:$0x3FAF]  }
0x31: {  	[smem:$0x3FB8] =	sst s10  }
0x32: {  	s10 =	sld [smem:$0x3FB6];
	_ =	sdelay $0x3  }
0x33: {  	p0 =	seq.s32 s10, $0x1;
	s10 =	sld [smem:$0x3FB8];
	_ =	sdelay $0x3  }
0x34: {  	[smem:$0x3FB8] =	sst s10  }
0x35: {  	s10 =	sld [smem:$0x3FB7];
	_ =	sdelay $0x3  }
0x36: {  	p1 =	seq.s32 s10, $0x1;
	s10 =	sld [smem:$0x3FB8];
	_ =	sdelay $0x3  }
0x37: {  	[smem:$0x3FB8] =	sst s10  }
0x38: {  	s10 =	sld [smem:$0x3FB9]  }
0x39: {  	_ = 	snop;
	(pc) =	sbr.ind lr, $3  }
0x3a: {  	_ = 	snop  }
0x3b: {  	_ = 	snop  }
0x3c: {  	p2 =	seq.s32 s10, $0x1;
	s10 =	sld [smem:$0x3FB8]  }
0x3d: {  	_ =	shalt  }
0x3e: {  	_ =	shalt  }
0x3f: {  	_ =	shalt  }
0x40: {  	_ =	shalt  }
0x41: {  	_ =	shalt  }
0x42: {  	_ =	shalt  }
0x43: {  	_ =	shalt  }
0x44: {  	_ =	shalt  }
0x45: {  	_ =	shalt  }
0x46: {  	_ =	shalt  }
0x47: {  	_ =	shalt  }
0x48: {  	_ =	shalt  }
0x49: {  	_ =	shalt  }
0x4a: {  	_ =	shalt  }
0x4b: {  	_ =	shalt  }
0x4c: {  	_ =	shalt  }
0x4d: {  	_ =	shalt  }
0x4e: {  	_ =	shalt  }
0x4f: {  	_ =	shalt  }
0x50: {  	_ =	shalt  }
0x51: {  	_ =	shalt  }
0x52: {  	_ =	shalt  }
0x53: {  	_ =	shalt  }
0x54: {  	_ =	shalt  }
0x55: {  	_ =	shalt  }
0x56: {  	_ =	shalt  }
0x57: {  	_ =	shalt  }
0x58: {  	_ =	shalt  }
0x59: {  	_ =	shalt  }
0x5a: {  	_ =	shalt  }
0x5b: {  	_ =	shalt  }
0x5c: {  	_ =	shalt  }
0x5d: {  	_ =	shalt  }
0x5e: {  	_ =	shalt  }
0x5f: {  	_ =	shalt  }
0x60: {  	_ =	shalt  }
0x61: {  	_ =	shalt  }
0x62: {  	_ =	shalt  }
0x63: {  	_ =	shalt  }
0x64: {  	_ =	shalt  }
0x65: {  	_ =	shalt  }
0x66: {  	_ =	shalt  }
0x67: {  	_ =	shalt  }
0x68: {  	_ =	shalt  }
0x69: {  	_ =	shalt  }
0x6a: {  	_ =	shalt  }
0x6b: {  	_ =	shalt  }
0x6c: {  	_ =	shalt  }
0x6d: {  	_ =	shalt  }
0x6e: {  	_ =	shalt  }
0x6f: {  	_ =	shalt  }
0x70: {  	_ =	shalt  }
0x71: {  	_ =	shalt  }
0x72: {  	_ =	shalt  }
0x73: {  	_ =	shalt  }
0x74: {  	_ =	shalt  }
0x75: {  	_ =	shalt  }
0x76: {  	_ =	shalt  }
0x77: {  	_ =	shalt  }
0x78: {  	_ =	shalt  }
0x79: {  	_ =	shalt  }
0x7a: {  	_ =	shalt  }
0x7b: {  	_ =	shalt  }
0x7c: {  	_ =	shalt  }
0x7d: {  	_ =	shalt  }
0x7e: {  	_ =	shalt  }
0x7f: {  	_ =	shalt  }
0x80: {  	_ =	shalt  }
0x81: {  	_ =	shalt  }
0x82: {  	_ =	shalt  }
0x83: {  	_ =	shalt  }
0x84: {  	_ =	shalt  }
0x85: {  	_ =	shalt  }
0x86: {  	_ =	shalt  }
0x87: {  	_ =	shalt  }
.Lfunc_end0:
.L_simem_size_0:
called_computation_lowered:
.L_overlay_start_0:
0x88: {  	s2 =	sld [smem:$0x3FD9]  }
0x89: {  	s3 =	sld [smem:$0x3FFE];
	_ =	sdelay $0x1  }
0x8a: {  	s1 =	srdreg.scid  }
0x8b: {  	s0 =	sand.u32 $0x1, s1  }
0x8c: {  	s18 =	sshll.u32 s0, $0xA;
	s2 =	sadd.s32 s3, s2  }
0x8d: {  	s2 =	sadd.s32 s2, s18  }
0x8e: {  	[smem:$0x3FC4] =	sst s2  }
0x8f: {  	_ = 	snop  }
0x90: {  	s2 =	sld [smem:$0x3FC9]  }
0x91: {  	s19 =	sld [smem:$0x3FC8]  }
0x92: {  	s4 =	sld [smem:$0x3FC7]  }
0x93: {  	s5 =	sld [smem:$0x3FC6]  }
0x94: {  	s6 =	sld [smem:$0x3FD0];
	(tm) =	ssettm $0x1  }
0x95: {  	s7 =	sld [smem:$0x3FFB];
	_ =	sdelay $0x3  }
0x96: {  	_ =	strace s7  }
0x97: {  	s7 =	sld [smem:$0x3FFC];
	_ =	sdelay $0x3  }
0x98: {  	_ =	strace s7  }
0x99: {  	s7 =	sld [smem:$0x3FFD];
	_ =	sdelay $0x3  }
0x9a: {  	_ =	strace s7  }
0x9b: {  	_ =	strace $0x8FFFFFFF  }
0x9c: {  	s20 =	sld [smem:$0x3FDB];
	_ =	sdelay $0x1  }
0x9d: {  	s8 =	simm.s32 $_scs_section_size  }
0x9e: {  	s9 =	simm.s32 $_size__tile_overlayer_lowered;
	s10 =	simm.s32 $_tile_overlayer_lowered  }
0x9f: {  	s23 =	simm.s32 $0x1BFF;
	s22 =	sshll.u32 s10, $0x1;
	s7 =	sadd.s32 s8, s20  }
0xa0: {  	s11 =	simm.s32 $0x0;
	s21 =	sshll.u32 s9, $0x1;
	s9 =	sadd.s32 s22, s7  }
0xa1: {  	[timem:s11], [sflag:s23] =	dma.local [hbm:s9], s21  }
0xa2: {  	_ =	swait.ge [sflag:s23], s21  }
0xa3: {  	s8 =	ssub.s32 $0x0, s21;
	[sflag:s23] =	ssyncset.done $0x0  }
0xa4: {  	[sflag:s23] =	ssyncadd.s32 s8;
	_ =	sdelay $0x1  }
0xa5: {  	s24 =	simm.s32 $0x1B8B  }
0xa6: {  	_ =	swait.ge [sflag:s24], $0x1  }
0xa7: {  	[sflag:s24] =	ssyncset.done $0x0  }
0xa8: {  	s25 =	simm.s32 $0x1B8E;
	[sflag:s24] =	ssyncadd.s32 $0xFFFFFFFF  }
0xa9: {  	s26 =	simm.s32 $execute0_lowered;
	[smem:$0x3FD2] =	sst s25  }
0xaa: {  	s8 =	sshll.u32 s26, $0x1;
	_ =	strace $0x80000046;
	[dreg:$0x1] =	wrdreg $0xFFFFFFFF  }
0xab: {  	s28 =	simm.s32 $_size_execute0_lowered;
	s7 =	sadd.s32 s7, s8;
	[dreg:$0x0] =	wrdreg $0x0  }
0xac: {  	s8 =	sshll.u32 s28, $0x1;
	[dreg:$0x2] =	wrdreg s7  }
0xad: {  	[dreg:$0x3] =	wrdreg s8  }
0xae: {  	[dreg:$0x4] =	wrdreg $0xC0  }
0xaf: {  	_ =	task [dreg:s11], $0x5FFFF  }
0xb0: {  	[dreg:$0x1] =	wrdreg $0xFFFFFFFF  }
0xb1: {  	[dreg:$0x0] =	wrdreg $0x60  }
0xb2: {  	[dreg:$0x2] =	wrdreg s2  }
0xb3: {  	[dreg:$0x3] =	wrdreg s19  }
0xb4: {  	[dreg:$0x4] =	wrdreg s4  }
0xb5: {  	[dreg:$0x5] =	wrdreg s5  }
0xb6: {  	[dreg:$0x6] =	wrdreg s6  }
0xb7: {  	[dreg:$0x7] =	wrdreg $0x9  }
0xb8: {  	_ =	task.clear_ibuf [dreg:s11], $0x8FFFF;
	_ =	strace $0x90000046  }
0xb9: {  	s29 =	simm.s32 $0x9;
	_ =	strace $0x80000048  }
0xba: {  	_ =	swait.ge [sflag:s29], $0x1  }
0xbb: {  	[sflag:s29] =	ssyncadd.s32 $0xFFFFFFFF  }
0xbc: {  	_ =	strace $0x90000048  }
0xbd: {  	_ =	sfence  }
0xbe: {  	s30 =	sld [smem:$0x0];
	_ =	sdelay $0x2  }
0xbf: {  	s31 =	sshll.u32 s1, $0xD;
	s1 =	sshrl.u32 s1, $0x2  }
0xc0: {  	s3 =	sand.u32 $0x4000, s31;
	s1 =	sadd.s32 s1, s30  }
0xc1: {  	s0 =	sor.u32 s3, s0;
	s1 =	sshll.u32 s1, $0x11  }
0xc2: {  	s0 =	sor.u32 s1, s0  }
0xc3: {  	s0 =	sadd.s32 $0x8F2B, s0  }
0xc4: {  	[sflag:s0] =	ssyncadd.remote.s32 $0x1  }
0xc5: {  	_ =	sfence.sel $0xFFFF  }
0xc6: {  	[dreg:$0x0] =	wrdreg $0xFFFFFFFF;
	(pc) =	sbr.abs _section_cstart, $3  }
0xc7: {  	[dreg:$0x1] =	wrdreg $0xFFFFFFFF  }
0xc8: {  	_ =	task.clear_ibuf [dreg:s11], $0x2FFFF;
	_ =	strace $0x9FFFFFFF  }
0xc9: {  	(tm) =	ssettm $0x7FFFFFFF  }
tec
execute0_lowered:
.L_overlay_start_1:
0x0: {  	(tag) =	ssettag $0x1  }
0x1: {  	s5 =	rddreg [dreg:$0x0]  }
0x2: {  	s6 =	rddreg [dreg:$0x1]  }
0x3: {  	s1 =	rddreg [dreg:$0x2]  }
0x4: {  	s2 =	rddreg [dreg:$0x3]  }
0x5: {  	s7 =	rddreg [dreg:$0x4]  }
0x6: {  	s0 =	rddreg [dreg:$0x5];
	s8 =	srdreg.scid  }
0x7: {  	s4 =	simm.s32 $0x0;
	s3 =	stileid.u32;
	s12 =	simm.s32 $0x400  }
0x8: {  	s13 =	simm.s32 $0x600;
	s14 =	simm.s32 $0x480;
	s15 =	simm.s32 $0x280  }
0x9: {  	s16 =	simm.s32 $0x680;
	s17 =	simm.s32 $0x100;
	s18 =	simm.s32 $0x500  }
0xa: {  	s19 =	simm.s32 $0x300;
	s20 =	simm.s32 $0x700;
	s21 =	simm.s32 $0x180  }
0xb: {  	s22 =	simm.s32 $0x580;
	s23 =	simm.s32 $0x380;
	s24 =	simm.s32 $0x780  }
0xc: {  	s25 =	simm.s32 $0x1;
	s26 =	simm.s32 $0x2;
	s8 =	sand.u32 $0x1, s8  }
0xd: {  	s10 =	sshll.u32 s3, $0x7;
	[smem:$0x7FF] =	sst s4;
	s9 =	ssub.s32 $0x2, s8  }
0xe: {  	s8 =	sshll.u32 s8, $0x6;
	_ =	strace $0x80000047;
	s11 =	sshrl.u32 s9, $0x1  }
0xf: {  	s8 =	sor.u32 s8, s10;
	s10 =	simm.s32 $0x200;
	s9 =	ssub.s32 s9, s11  }
0x10: {  	s5 =	sadd.s32 s5, s8;
	s6 =	sadd.s32 s6, s8;
	s7 =	sadd.s32 s7, s8  }
0x11: {  	s11 =	simm.s32 $0x80;
	s8 =	smax.u32 s9, $0x1;
	s9 =	simm.s32 $0x3  }
.LBB2_1:
0x12: {  	[tilespmem:s4], [sflag:$0x3] =	stream.linear.gather [hbm4b:s5+s4], $0x200, $0x38;
	[tilespmem:$0x800] =	vst v63  }
0x13: {  	_ =	swait.ge [sflag:s9], $0x200  }
0x14: {  	[sflag:s9] =	ssyncset.done $0x0  }
0x15: {  	[sflag:s9] =	ssyncadd.s32 $0xFFFFFE00  }
0x16: {  	[tilespmem:s10], [sflag:$0x3] =	stream.linear.gather [hbm4b:s6+s4], $0x200, $0x38;
	[tilespmem:$0x800] =	vst v63  }
0x17: {  	_ =	swait.ge [sflag:s9], $0x200  }
0x18: {  	[sflag:s9] =	ssyncset.done $0x0  }
0x19: {  	[sflag:s9] =	ssyncadd.s32 $0xFFFFFE00  }
0x1a: {  	[tilespmem:s12], [sflag:$0x1] =	stream.indirect.gather [hbm4b:s1+s11], $0x1, s4, s11, $0xb8;
	[tilespmem:$0x800] =	vst v63  }
0x1b: {  	_ = 	snop  }
0x1c: {  	[tilespmem:s13], [sflag:$0x2] =	stream.indirect.gather [hbm4b:s2+s11], $0x1, s10, s11, $0xb8;
	[tilespmem:$0x800] =	vst v63  }
0x1d: {  	_ = 	snop  }
0x1e: {  	[tilespmem:s14], [sflag:$0x1] =	stream.indirect.gather [hbm4b:s1+s11], $0x1, s11, s11, $0xb8;
	[tilespmem:$0x800] =	vst v63  }
0x1f: {  	_ = 	snop  }
0x20: {  	[tilespmem:s16], [sflag:$0x2] =	stream.indirect.gather [hbm4b:s2+s11], $0x1, s15, s11, $0xb8;
	[tilespmem:$0x800] =	vst v63  }
0x21: {  	_ = 	snop  }
0x22: {  	[tilespmem:s18], [sflag:$0x1] =	stream.indirect.gather [hbm4b:s1+s11], $0x1, s17, s11, $0xb8;
	[tilespmem:$0x800] =	vst v63  }
0x23: {  	_ = 	snop  }
0x24: {  	[tilespmem:s20], [sflag:$0x2] =	stream.indirect.gather [hbm4b:s2+s11], $0x1, s19, s11, $0xb8;
	[tilespmem:$0x800] =	vst v63  }
0x25: {  	_ = 	snop  }
0x26: {  	[tilespmem:s22], [sflag:$0x1] =	stream.indirect.gather [hbm4b:s1+s11], $0x1, s21, s11, $0xb8;
	[tilespmem:$0x800] =	vst v63  }
0x27: {  	_ = 	snop  }
0x28: {  	[tilespmem:s24], [sflag:$0x2] =	stream.indirect.gather [hbm4b:s2+s11], $0x1, s23, s11, $0xb8;
	[tilespmem:$0x800] =	vst v63  }
0x29: {  	_ =	swait.ge [sflag:s25], $0x80  }
0x2a: {  	[sflag:s25] =	ssyncset.done $0x0  }
0x2b: {  	[sflag:s25] =	ssyncadd.s32 $0xFFFFFF80  }
0x2c: {  	_ =	swait.ge [sflag:s26], $0x80  }
0x2d: {  	[sflag:s26] =	ssyncset.done $0x0  }
0x2e: {  	[sflag:s26] =	ssyncadd.s32 $0xFFFFFF80  }
0x2f: {  	_ =	swait.ge [sflag:s25], $0x80  }
0x30: {  	[sflag:s25] =	ssyncset.done $0x0  }
0x31: {  	[sflag:s25] =	ssyncadd.s32 $0xFFFFFF80  }
0x32: {  	_ =	swait.ge [sflag:s26], $0x80  }
0x33: {  	[sflag:s26] =	ssyncset.done $0x0  }
0x34: {  	[sflag:s26] =	ssyncadd.s32 $0xFFFFFF80  }
0x35: {  	_ =	swait.ge [sflag:s25], $0x80  }
0x36: {  	[sflag:s25] =	ssyncset.done $0x0  }
0x37: {  	[sflag:s25] =	ssyncadd.s32 $0xFFFFFF80  }
0x38: {  	_ =	swait.ge [sflag:s26], $0x80  }
0x39: {  	[sflag:s26] =	ssyncset.done $0x0  }
0x3a: {  	[sflag:s26] =	ssyncadd.s32 $0xFFFFFF80  }
0x3b: {  	_ =	swait.ge [sflag:s25], $0x80  }
0x3c: {  	[sflag:s25] =	ssyncset.done $0x0  }
0x3d: {  	[sflag:s25] =	ssyncadd.s32 $0xFFFFFF80  }
0x3e: {  	_ =	swait.ge [sflag:s26], $0x80  }
0x3f: {  	[sflag:s26] =	ssyncset.done $0x0  }
0x40: {  	[sflag:s26] =	ssyncadd.s32 $0xFFFFFF80  }
0x41: {  	v0 =	vld [tilespmem:$0x400]  }
0x42: {  	v1 =	vld [tilespmem:$0x600]  }
0x43: {  	v2 =	vld [tilespmem:$0x410]  }
0x44: {  	v3 =	vld [tilespmem:$0x610]  }
0x45: {  	v4 =	vld [tilespmem:$0x420]  }
0x46: {  	v5 =	vld [tilespmem:$0x620]  }
0x47: {  	v6 =	vld [tilespmem:$0x430]  }
0x48: {  	v7 =	vld [tilespmem:$0x630]  }
0x49: {  	v8 =	vld [tilespmem:$0x440]  }
0x4a: {  	v9 =	vld [tilespmem:$0x640]  }
0x4b: {  	v10 =	vld [tilespmem:$0x450]  }
0x4c: {  	v11 =	vld [tilespmem:$0x650]  }
0x4d: {  	v12 =	vld [tilespmem:$0x460]  }
0x4e: {  	v13 =	vld [tilespmem:$0x660]  }
0x4f: {  	v14 =	vld [tilespmem:$0x470]  }
0x50: {  	v15 =	vld [tilespmem:$0x670]  }
0x51: {  	v16 =	vld [tilespmem:$0x480]  }
0x52: {  	v17 =	vld [tilespmem:$0x680]  }
0x53: {  	v18 =	vld [tilespmem:$0x490]  }
0x54: {  	v19 =	vld [tilespmem:$0x690]  }
0x55: {  	v20 =	vld [tilespmem:$0x4A0]  }
0x56: {  	v21 =	vld [tilespmem:$0x6A0]  }
0x57: {  	v22 =	vld [tilespmem:$0x4B0]  }
0x58: {  	v23 =	vld [tilespmem:$0x6B0]  }
0x59: {  	v24 =	vld [tilespmem:$0x4C0]  }
0x5a: {  	v25 =	vld [tilespmem:$0x6C0]  }
0x5b: {  	v26 =	vld [tilespmem:$0x4D0]  }
0x5c: {  	v27 =	vld [tilespmem:$0x6D0]  }
0x5d: {  	v28 =	vld [tilespmem:$0x4E0]  }
0x5e: {  	v29 =	vld [tilespmem:$0x6E0]  }
0x5f: {  	v30 =	vld [tilespmem:$0x4F0]  }
0x60: {  	v31 =	vld [tilespmem:$0x6F0]  }
0x61: {  	v32 =	vld [tilespmem:$0x500]  }
0x62: {  	v33 =	vld [tilespmem:$0x700]  }
0x63: {  	v34 =	vld [tilespmem:$0x510]  }
0x64: {  	v35 =	vld [tilespmem:$0x710]  }
0x65: {  	v36 =	vld [tilespmem:$0x520]  }
0x66: {  	v46 =	vld [tilespmem:$0x720];
	v0 =	vmul.f32 v1, v0  }
0x67: {  	v47 =	vld [tilespmem:$0x530];
	v2 =	vmul.f32 v3, v2  }
0x68: {  	v49 =	vld [tilespmem:$0x730];
	v48 =	vmul.f32 v5, v4;
	[tilespmem:$0x400] =	vst v0  }
0x69: {  	v51 =	vld [tilespmem:$0x540];
	v50 =	vmul.f32 v7, v6;
	[tilespmem:$0x410] =	vst v2  }
0x6a: {  	v53 =	vld [tilespmem:$0x740];
	v52 =	vmul.f32 v9, v8;
	[tilespmem:$0x420] =	vst v48  }
0x6b: {  	v55 =	vld [tilespmem:$0x550];
	v54 =	vmul.f32 v11, v10;
	[tilespmem:$0x430] =	vst v50  }
0x6c: {  	v57 =	vld [tilespmem:$0x750];
	v56 =	vmul.f32 v13, v12;
	[tilespmem:$0x440] =	vst v52  }
0x6d: {  	v59 =	vld [tilespmem:$0x560];
	v58 =	vmul.f32 v15, v14;
	[tilespmem:$0x450] =	vst v54  }
0x6e: {  	v61 =	vld [tilespmem:$0x760];
	v60 =	vmul.f32 v17, v16;
	[tilespmem:$0x460] =	vst v56  }
0x6f: {  	v63 =	vld [tilespmem:$0x570];
	v62 =	vmul.f32 v19, v18;
	[tilespmem:$0x470] =	vst v58  }
0x70: {  	v37 =	vld [tilespmem:$0x5A0];
	v20 =	vmul.f32 v21, v20;
	[tilespmem:$0x480] =	vst v60  }
0x71: {  	v39 =	vld [tilespmem:$0x7A0];
	v22 =	vmul.f32 v23, v22;
	[tilespmem:$0x490] =	vst v62  }
0x72: {  	v41 =	vld [tilespmem:$0x5B0];
	v24 =	vmul.f32 v25, v24;
	[tilespmem:$0x4A0] =	vst v20  }
0x73: {  	v43 =	vld [tilespmem:$0x7B0];
	v26 =	vmul.f32 v27, v26;
	[tilespmem:$0x4B0] =	vst v22  }
0x74: {  	v45 =	vld [tilespmem:$0x5C0];
	v28 =	vmul.f32 v29, v28;
	[tilespmem:$0x4C0] =	vst v24  }
0x75: {  	v21 =	vld [tilespmem:$0x770];
	v31 =	vmul.f32 v31, v30;
	[tilespmem:$0x4D0] =	vst v26  }
0x76: {  	v23 =	vld [tilespmem:$0x580];
	v38 =	vmul.f32 v33, v32;
	[tilespmem:$0x4E0] =	vst v28  }
0x77: {  	v25 =	vld [tilespmem:$0x780];
	v40 =	vmul.f32 v35, v34;
	[tilespmem:$0x4F0] =	vst v31  }
0x78: {  	v27 =	vld [tilespmem:$0x590];
	v42 =	vmul.f32 v46, v36;
	[tilespmem:$0x500] =	vst v38  }
0x79: {  	v29 =	vld [tilespmem:$0x790];
	v44 =	vmul.f32 v49, v47;
	[tilespmem:$0x510] =	vst v40  }
0x7a: {  	v46 =	vmul.f32 v53, v51;
	v47 =	vld [tilespmem:$0x7C0];
	[tilespmem:$0x520] =	vst v42  }
0x7b: {  	v49 =	vld [tilespmem:$0x5D0];
	v1 =	vmul.f32 v43, v41;
	[tilespmem:$0x530] =	vst v44  }
0x7c: {  	v51 =	vld [tilespmem:$0x7D0];
	v48 =	vmul.f32 v57, v55;
	[tilespmem:$0x540] =	vst v46  }
0x7d: {  	v53 =	vld [tilespmem:$0x5E0];
	v50 =	vmul.f32 v61, v59;
	[tilespmem:$0x5B0] =	vst v1  }
0x7e: {  	v55 =	vld [tilespmem:$0x7E0];
	v58 =	vmul.f32 v39, v37;
	[tilespmem:$0x550] =	vst v48  }
0x7f: {  	v57 =	vld [tilespmem:$0x5F0];
	[tilespmem:$0x560] =	vst v50;
	v52 =	vmul.f32 v21, v63  }
0x80: {  	v59 =	vld [tilespmem:$0x7F0];
	[tilespmem:$0x5A0] =	vst v58;
	v54 =	vmul.f32 v25, v23  }
0x81: {  	v56 =	vmul.f32 v29, v27;
	[tilespmem:$0x570] =	vst v52  }
0x82: {  	v60 =	vmul.f32 v47, v45;
	[tilespmem:$0x580] =	vst v54  }
0x83: {  	v61 =	vmul.f32 v51, v49;
	[tilespmem:$0x590] =	vst v56  }
0x84: {  	[tilespmem:$0x5C0] =	vst v60;
	v62 =	vmul.f32 v55, v53  }
0x85: {  	[tilespmem:$0x5D0] =	vst v61;
	v63 =	vmul.f32 v59, v57  }
0x86: {  	p0 =	sne.s32 s8, $0x1;
	[tilespmem:$0x5E0] =	vst v62  }
.Ltmp0:
0x87: {  	[tilespmem:$0x5F0] =	vst v63;
	(pc) =	sbr.rel @p0 .LBB2_1-.Ltmp0, $4  }
0x88: {  	[hbm4b:s7+s4] =	stream.linear.scatter [tilespmem:s12], [sflag:$0x3], $0x200, $0x38;
	[tilespmem:$0x800] =	vst v63  }
0x89: {  	_ =	swait.ge [sflag:s9], $0x200  }
0x8a: {  	[sflag:s9] =	ssyncset.done $0x0  }
0x8b: {  	s8 =	sadd.s32 $0xFFFFFFFF, s8;
	[sflag:s9] =	ssyncadd.s32 $0xFFFFFE00  }
0x8c: {  	_ =	sfence.sel $0x180000  }
0x8d: {  	[bflag:$0x0] =	sbarrier.arrive $0xFFFF  }
0x8e: {  	p0 =	sne.s32 s3, $0x0;
	_ =	strace $0x90000047  }
0x8f: {  	s0 =	sadd.s32 @!p0 $0x100000, s0;
	[bflag:$0x2] =	sbarrier.arrive $0xFFFF  }
0x90: {  	[sflag:s0] =	ssyncadd.tile.s32 @!p0 $0x1;
	_ =	shalt  }
.Lfunc_end2:
_tile_overlayer_lowered:
.L_overlay_start_2:
0x91: {  	(tag) =	ssettag $0x2  }
0x92: {  	s0 =	rddreg [dreg:$0x0];
	s2 =	stileid.u32  }
0x93: {  	s1 =	rddreg [dreg:$0x1];
	p0 =	sne.s32 s2, $0x0  }
0x94: {  	s3 =	rddreg [dreg:$0x2];
	[bflag:$0x3] =	sbarrier.arrive $0xFFFF;
	s2 =	simm.s32 @!p0 $0x1C03  }
0x95: {  	[timem:s3], [sflag:s2] =	dma.local @!p0 [hbm:s0], s1  }
0x96: {  	s0 =	simm.s32 @!p0 $0x3  }
0x97: {  	_ =	swait.ge @!p0 [sflag:s0], s1  }
0x98: {  	s1 =	ssub.s32 @!p0 $0x0, s1;
	[sflag:s0] =	ssyncset.done @!p0 $0x0  }
0x99: {  	[sflag:s0] =	ssyncadd.s32 @!p0 s1  }
0x9a: {  	[bflag:$0x3] =	sbarrier.arrive $0xFFFF  }
0x9b: {  	_ =	shalt  }

</sc_bundles>
